<compile_context>
chip_gen: v7x
topology: tpu7x:2x2x1
jax: 0.10.2.dev20260603
libtpu: 0.0.44.dev20260713+nightly
codegen_flags: <defaults>
</compile_context>

<pallas_src>
import jax
import jax.numpy as jnp
from jax import lax
from jax.experimental import pallas as pl
from jax.experimental.pallas import tpu as pltpu
from jax.experimental.pallas import tpu_sc as plsc

N_C = 10000
N_V = 10000
N_NODES = 10000
D = 128
DH = D // 2
E_TOTAL = 320000
NUM_TILES = 16
KB = 128
EDGES_PER_TILE = E_TOTAL // NUM_TILES
NCH = 160
EPT_PAD = NCH * KB
N_PAD = 10240
ROWS_PER_TILE = N_PAD // NUM_TILES
ZERO_ROW0 = N_C + N_V
TROWS = 20096
TROWS_PER_TILE = TROWS // NUM_TILES


NBUF = 4


def _agg_body(xlo_ref, xhi_ref, src_ref, dst_ref, zeros_ref, out_ref,
              sidx, didx, rb0, rb1, rb2, rb3, sem0, sem1, sem2, sem3, acc):
    rbs = (rb0, rb1, rb2, rb3)
    sems = (sem0, sem1, sem2, sem3)
    cid = lax.axis_index("c")
    sid = lax.axis_index("s")
    pltpu.sync_copy(src_ref.at[cid, sid], sidx)
    pltpu.sync_copy(dst_ref.at[cid, sid], didx)
    r0 = sid * ROWS_PER_TILE

    for p, x_ref in enumerate((xlo_ref, xhi_ref)):
        pltpu.sync_copy(zeros_ref, acc.at[pl.ds(r0, ROWS_PER_TILE)])
        plsc.subcore_barrier()

        for b in range(NBUF):
            pltpu.async_copy(x_ref.at[sidx.at[b]], rbs[b], sems[b])

        def step(i, carry):
            for b in range(NBUF):
                j = NBUF * i + b
                rb, sem = rbs[b], sems[b]
                pltpu.make_async_copy(x_ref.at[sidx.at[j]], rb, sem).wait()
                pltpu.sync_copy(rb, acc.at[didx.at[j]], add=True)

                @pl.when(j + NBUF < NCH)
                def _():
                    pltpu.async_copy(x_ref.at[sidx.at[j + NBUF]], rb, sem)
            return carry

        lax.fori_loop(0, NCH // NBUF, step, 0)
        plsc.subcore_barrier()
        pltpu.sync_copy(acc.at[pl.ds(r0, ROWS_PER_TILE)],
                        out_ref.at[cid, p, pl.ds(r0, ROWS_PER_TILE)])


_agg_call = pl.kernel(
    _agg_body,
    out_type=jax.ShapeDtypeStruct((2, 2, N_PAD, DH), jnp.float32),
    mesh=plsc.VectorSubcoreMesh(core_axis_name="c", subcore_axis_name="s"),
    compiler_params=pltpu.CompilerParams(use_tc_tiling_on_sc=False),
    scratch_types=[
        pltpu.VMEM((NCH, KB), jnp.int32),
        pltpu.VMEM((NCH, KB), jnp.int32),
        pltpu.VMEM((KB, DH), jnp.float32),
        pltpu.VMEM((KB, DH), jnp.float32),
        pltpu.VMEM((KB, DH), jnp.float32),
        pltpu.VMEM((KB, DH), jnp.float32),
        pltpu.SemaphoreType.DMA,
        pltpu.SemaphoreType.DMA,
        pltpu.SemaphoreType.DMA,
        pltpu.SemaphoreType.DMA,
        pltpu.VMEM_SHARED((N_PAD, DH), jnp.float32),
    ],
)

BR = 1000


def _dense_body(alo_ref, ahi_ref, xr_ref, wrel_ref, wroot_ref, bias_ref,
                gam_ref, bet_ref, out_ref):
    i = pl.program_id(0)
    wrel = wrel_ref[0]
    h = jnp.dot(alo_ref[0, 0], wrel[:DH], preferred_element_type=jnp.float32,
                precision=lax.Precision.HIGHEST)
    h = h + jnp.dot(ahi_ref[0, 0], wrel[DH:],
                    preferred_element_type=jnp.float32,
                    precision=lax.Precision.HIGHEST)
    h = h + jnp.dot(xr_ref[0], wroot_ref[0],
                    preferred_element_type=jnp.float32,
                    precision=lax.Precision.HIGHEST)
    h = h + bias_ref[i]
    mu = jnp.mean(h, axis=1, keepdims=True)
    d = h - mu
    var = jnp.mean(d * d, axis=1, keepdims=True)
    y = d * lax.rsqrt(var + 1e-5) * gam_ref[i] + bet_ref[i]
    out_ref[0] = jnp.maximum(y, 0.0)


_dense_call = pl.pallas_call(
    _dense_body,
    grid=(2, N_NODES // BR),
    in_specs=[
        pl.BlockSpec((1, 1, BR, DH), lambda i, j: (i, 0, j, 0)),
        pl.BlockSpec((1, 1, BR, DH), lambda i, j: (i, 1, j, 0)),
        pl.BlockSpec((1, BR, D), lambda i, j: (i, j, 0)),
        pl.BlockSpec((1, D, D), lambda i, j: (i, 0, 0)),
        pl.BlockSpec((1, D, D), lambda i, j: (i, 0, 0)),
        pl.BlockSpec((2, D), lambda i, j: (0, 0)),
        pl.BlockSpec((2, D), lambda i, j: (0, 0)),
        pl.BlockSpec((2, D), lambda i, j: (0, 0)),
    ],
    out_specs=pl.BlockSpec((1, BR, D), lambda i, j: (i, j, 0)),
    out_shape=jax.ShapeDtypeStruct((2, N_NODES, D), jnp.float32),
)


def kernel(x_constraint, x_variable, edge_index_c2v, edge_index_v2c,
           W_rel_cv, W_root_cv, b_cv, W_rel_vc, W_root_vc, b_vc,
           ln_c_gamma, ln_c_beta, ln_v_gamma, ln_v_beta):
    zpad = jnp.zeros((TROWS - N_C - N_V, DH), jnp.float32)
    xlo = jnp.concatenate(
        [x_constraint[:, :DH], x_variable[:, :DH], zpad], axis=0)
    xhi = jnp.concatenate(
        [x_constraint[:, DH:], x_variable[:, DH:], zpad], axis=0)

    src = jnp.stack([edge_index_c2v[0], edge_index_v2c[0] + N_C])
    dst = jnp.stack([edge_index_c2v[1], edge_index_v2c[1]])
    src = src.reshape(2, NUM_TILES, EDGES_PER_TILE)
    dst = dst.reshape(2, NUM_TILES, EDGES_PER_TILE)
    pad_n = EPT_PAD - EDGES_PER_TILE
    pad_src = (jnp.arange(pad_n, dtype=jnp.int32) % 8) + ZERO_ROW0
    pad_dst = (jnp.arange(pad_n, dtype=jnp.int32) * 37) % N_NODES
    src = jnp.concatenate(
        [src, jnp.broadcast_to(pad_src, (2, NUM_TILES, pad_n))], axis=2)
    dst = jnp.concatenate(
        [dst, jnp.broadcast_to(pad_dst, (2, NUM_TILES, pad_n))], axis=2)
    src = src.reshape(2, NUM_TILES, NCH, KB)
    dst = dst.reshape(2, NUM_TILES, NCH, KB)

    zeros_rows = jnp.zeros((ROWS_PER_TILE, DH), jnp.float32)
    agg = _agg_call(xlo, xhi, src, dst, zeros_rows)

    xr = jnp.stack([x_variable, x_constraint])
    wrel = jnp.stack([W_rel_cv, W_rel_vc])
    wroot = jnp.stack([W_root_cv, W_root_vc])
    bias = jnp.stack([b_cv, b_vc])
    gam = jnp.stack([ln_v_gamma, ln_c_gamma])
    bet = jnp.stack([ln_v_beta, ln_c_beta])
    out = _dense_call(agg, agg, xr, wrel, wroot, bias, gam, bet)
    return out[1], out[0]

# --- scband reference (transcript-rebuilt; emitter-appended) ---
"""Pipeline reference for scband-bipartite-gnnlayer-266287972797 (READ-ONLY COPY).

The authoritative reference and input builder live on the scoring server;
editing this copy changes nothing except your own understanding.
"""

import jax, jax.numpy as jnp
import numpy as np

N_C = 10000
N_V = 10000
D_IN = 128
D_OUT = 128
E = 320000


def setup_inputs(seed: int = 0) -> dict:
    key = jax.random.key(seed)
    ks = jax.random.split(key, 20)
    s = 1.0 / np.sqrt(D_IN)
    x_constraint = jax.random.normal(ks[0], (N_C, D_IN), dtype=jnp.float32)
    x_variable = jax.random.normal(ks[1], (N_V, D_IN), dtype=jnp.float32)
    edge_index_c2v = jnp.stack([
        jax.random.randint(ks[2], (E,), 0, N_C),
        jax.random.randint(ks[3], (E,), 0, N_V),
    ]).astype(jnp.int32)
    edge_index_v2c = jnp.stack([
        jax.random.randint(ks[4], (E,), 0, N_V),
        jax.random.randint(ks[5], (E,), 0, N_C),
    ]).astype(jnp.int32)
    # GraphConv('constraint','connects','variable'): lin_rel (bias) on aggregated src, lin_root (no bias) on dst
    W_rel_cv = jax.random.normal(ks[6], (D_IN, D_OUT), dtype=jnp.float32) * s
    W_root_cv = jax.random.normal(ks[7], (D_IN, D_OUT), dtype=jnp.float32) * s
    b_cv = jnp.zeros((D_OUT,), dtype=jnp.float32)
    # GraphConv('variable','connected_by','constraint')
    W_rel_vc = jax.random.normal(ks[8], (D_IN, D_OUT), dtype=jnp.float32) * s
    W_root_vc = jax.random.normal(ks[9], (D_IN, D_OUT), dtype=jnp.float32) * s
    b_vc = jnp.zeros((D_OUT,), dtype=jnp.float32)
    # LayerNorm params per node type
    ln_c_gamma = jnp.ones((D_OUT,), dtype=jnp.float32)
    ln_c_beta = jnp.zeros((D_OUT,), dtype=jnp.float32)
    ln_v_gamma = jnp.ones((D_OUT,), dtype=jnp.float32)
    ln_v_beta = jnp.zeros((D_OUT,), dtype=jnp.float32)
    return {
        'x_constraint': x_constraint, 'x_variable': x_variable,
        'edge_index_c2v': edge_index_c2v, 'edge_index_v2c': edge_index_v2c,
        'W_rel_cv': W_rel_cv, 'W_root_cv': W_root_cv, 'b_cv': b_cv,
        'W_rel_vc': W_rel_vc, 'W_root_vc': W_root_vc, 'b_vc': b_vc,
        'ln_c_gamma': ln_c_gamma, 'ln_c_beta': ln_c_beta,
        'ln_v_gamma': ln_v_gamma, 'ln_v_beta': ln_v_beta,
    }


def _layer_norm(x, gamma, beta, eps=1e-5):
    mu = jnp.mean(x, axis=-1, keepdims=True)
    var = jnp.mean((x - mu) ** 2, axis=-1, keepdims=True)
    return (x - mu) / jnp.sqrt(var + eps) * gamma + beta


def reference(x_constraint, x_variable, edge_index_c2v, edge_index_v2c,
              W_rel_cv, W_root_cv, b_cv, W_rel_vc, W_root_vc, b_vc,
              ln_c_gamma, ln_c_beta, ln_v_gamma, ln_v_beta):
    # HeteroConv of two bipartite GraphConv layers (aggr='add' within conv, 'sum' across edge types)
    src_cv, dst_cv = edge_index_c2v[0], edge_index_c2v[1]
    agg_v = jax.ops.segment_sum(jnp.take(x_constraint, src_cv, axis=0), dst_cv,
                                num_segments=x_variable.shape[0])
    out_v = agg_v @ W_rel_cv + b_cv + x_variable @ W_root_cv

    src_vc, dst_vc = edge_index_v2c[0], edge_index_v2c[1]
    agg_c = jax.ops.segment_sum(jnp.take(x_variable, src_vc, axis=0), dst_vc,
                                num_segments=x_constraint.shape[0])
    out_c = agg_c @ W_rel_vc + b_vc + x_constraint @ W_root_vc

    # LayerNorm (config.use_batch_norm=True uses nn.LayerNorm) then ReLU activation
    out_c = jax.nn.relu(_layer_norm(out_c, ln_c_gamma, ln_c_beta))
    out_v = jax.nn.relu(_layer_norm(out_v, ln_v_gamma, ln_v_beta))
    return (out_c, out_v)

if __name__ == "__main__":
    import jax
    _d = setup_inputs()
    print(jax.jit(kernel)(*tuple(_d.values())))

</pallas_src>

<mosaic_0001>
#map = affine_map<(d0, d1) -> (0, 0)>
#map1 = affine_map<(d0, d1) -> (0, 0, 0, 0)>
module attributes {stable_mosaic.version = 14 : i64} {
  func.func @_agg_body(%arg0: i32, %arg1: i32, %arg2: memref<20096x64xf32, #tpu.memory_space<hbm>>, %arg3: memref<20096x64xf32, #tpu.memory_space<hbm>>, %arg4: memref<2x16x160x128xi32, #tpu.memory_space<hbm>>, %arg5: memref<2x16x160x128xi32, #tpu.memory_space<hbm>>, %arg6: memref<640x64xf32, #tpu.memory_space<hbm>>, %arg7: memref<2x2x10240x64xf32, #tpu.memory_space<hbm>>, %arg8: memref<160x128xi32, #tpu.memory_space<vmem>>, %arg9: memref<160x128xi32, #tpu.memory_space<vmem>>, %arg10: memref<128x64xf32, #tpu.memory_space<vmem>>, %arg11: memref<128x64xf32, #tpu.memory_space<vmem>>, %arg12: memref<128x64xf32, #tpu.memory_space<vmem>>, %arg13: memref<128x64xf32, #tpu.memory_space<vmem>>, %arg14: memref<!tpu.dma_semaphore, #tpu.memory_space<semaphore_mem>>, %arg15: memref<!tpu.dma_semaphore, #tpu.memory_space<semaphore_mem>>, %arg16: memref<!tpu.dma_semaphore, #tpu.memory_space<semaphore_mem>>, %arg17: memref<!tpu.dma_semaphore, #tpu.memory_space<semaphore_mem>>, %arg18: memref<10240x64xf32, #tpu.memory_space<vmem_shared>>) attributes {dimension_semantics = [#tpu.dimension_semantics<core_parallel>, #tpu.dimension_semantics<subcore_parallel>], iteration_bounds = array<i64: 2, 16>, scalar_prefetch = 0 : i64, scratch_operands = 11 : i64, tpu.core_type = #tpu.core_type<sc_vector_subcore>, window_params = [{transform_indices = #map}, {transform_indices = #map}, {transform_indices = #map1}, {transform_indices = #map1}, {transform_indices = #map}, {transform_indices = #map1}]} {
    "tpu.region"() ({
      %run_scoped3A_71 = tpu.sem_alloc : memref<!tpu.dma_semaphore, #tpu.memory_space<semaphore_mem>>
      %dma_start3A_72 = arith.constant 0 : i32
      %dma_start3A_73 = arith.constant 0 : i32
      %dma_start3A_74 = tpu.memref_slice %arg4[%arg0, %arg1, %dma_start3A_72, %dma_start3A_73] : memref<2x16x160x128xi32, #tpu.memory_space<hbm>> -> memref<1x1x160x128xi32, #tpu.memory_space<hbm>>
      %dma_start3A_75 = tpu.memref_squeeze %dma_start3A_74 : memref<1x1x160x128xi32, #tpu.memory_space<hbm>> -> memref<160x128xi32, #tpu.memory_space<hbm>>
      %dma_start3A_76 = arith.constant 0 : i32
      %dma_start3A_77 = arith.constant 0 : i32
      %dma_start3A_78 = tpu.memref_slice %arg4[%arg0, %arg1, %dma_start3A_76, %dma_start3A_77] : memref<2x16x160x128xi32, #tpu.memory_space<hbm>> -> memref<1x1x160x128xi32, #tpu.memory_space<hbm>>
      %dma_start3A_79 = tpu.memref_squeeze %dma_start3A_78 : memref<1x1x160x128xi32, #tpu.memory_space<hbm>> -> memref<160x128xi32, #tpu.memory_space<hbm>>
      tpu.enqueue_dma source(%dma_start3A_79 : memref<160x128xi32, #tpu.memory_space<hbm>>) target(%arg8 : memref<160x128xi32, #tpu.memory_space<vmem>>) target_semaphore(%run_scoped3A_71 : memref<!tpu.dma_semaphore, #tpu.memory_space<semaphore_mem>>)
      %dma_wait3A = arith.constant 0 : i32
      %dma_wait3A_80 = arith.constant 0 : i32
      %dma_wait3A_81 = tpu.memref_slice %arg4[%arg0, %arg1, %dma_wait3A, %dma_wait3A_80] : memref<2x16x160x128xi32, #tpu.memory_space<hbm>> -> memref<1x1x160x128xi32, #tpu.memory_space<hbm>>
      %dma_wait3A_82 = tpu.memref_squeeze %dma_wait3A_81 : memref<1x1x160x128xi32, #tpu.memory_space<hbm>> -> memref<160x128xi32, #tpu.memory_space<hbm>>
      %dma_wait3A_83 = arith.constant 0 : i32
      %dma_wait3A_84 = arith.constant 0 : i32
      %dma_wait3A_85 = tpu.memref_slice %arg4[%arg0, %arg1, %dma_wait3A_83, %dma_wait3A_84] : memref<2x16x160x128xi32, #tpu.memory_space<hbm>> -> memref<1x1x160x128xi32, #tpu.memory_space<hbm>>
      %dma_wait3A_86 = tpu.memref_squeeze %dma_wait3A_85 : memref<1x1x160x128xi32, #tpu.memory_space<hbm>> -> memref<160x128xi32, #tpu.memory_space<hbm>>
      tpu.wait_dma2 semaphore(%run_scoped3A_71 : memref<!tpu.dma_semaphore, #tpu.memory_space<semaphore_mem>>) src(%dma_wait3A_86 : memref<160x128xi32, #tpu.memory_space<hbm>>) dst(%arg8 : memref<160x128xi32, #tpu.memory_space<vmem>>)
      tpu.yield
    }) : () -> ()
    "tpu.region"() ({
      %run_scoped3A_71 = tpu.sem_alloc : memref<!tpu.dma_semaphore, #tpu.memory_space<semaphore_mem>>
      %dma_start3A_72 = arith.constant 0 : i32
      %dma_start3A_73 = arith.constant 0 : i32
      %dma_start3A_74 = tpu.memref_slice %arg5[%arg0, %arg1, %dma_start3A_72, %dma_start3A_73] : memref<2x16x160x128xi32, #tpu.memory_space<hbm>> -> memref<1x1x160x128xi32, #tpu.memory_space<hbm>>
      %dma_start3A_75 = tpu.memref_squeeze %dma_start3A_74 : memref<1x1x160x128xi32, #tpu.memory_space<hbm>> -> memref<160x128xi32, #tpu.memory_space<hbm>>
      %dma_start3A_76 = arith.constant 0 : i32
      %dma_start3A_77 = arith.constant 0 : i32
      %dma_start3A_78 = tpu.memref_slice %arg5[%arg0, %arg1, %dma_start3A_76, %dma_start3A_77] : memref<2x16x160x128xi32, #tpu.memory_space<hbm>> -> memref<1x1x160x128xi32, #tpu.memory_space<hbm>>
      %dma_start3A_79 = tpu.memref_squeeze %dma_start3A_78 : memref<1x1x160x128xi32, #tpu.memory_space<hbm>> -> memref<160x128xi32, #tpu.memory_space<hbm>>
      tpu.enqueue_dma source(%dma_start3A_79 : memref<160x128xi32, #tpu.memory_space<hbm>>) target(%arg9 : memref<160x128xi32, #tpu.memory_space<vmem>>) target_semaphore(%run_scoped3A_71 : memref<!tpu.dma_semaphore, #tpu.memory_space<semaphore_mem>>)
      %dma_wait3A = arith.constant 0 : i32
      %dma_wait3A_80 = arith.constant 0 : i32
      %dma_wait3A_81 = tpu.memref_slice %arg5[%arg0, %arg1, %dma_wait3A, %dma_wait3A_80] : memref<2x16x160x128xi32, #tpu.memory_space<hbm>> -> memref<1x1x160x128xi32, #tpu.memory_space<hbm>>
      %dma_wait3A_82 = tpu.memref_squeeze %dma_wait3A_81 : memref<1x1x160x128xi32, #tpu.memory_space<hbm>> -> memref<160x128xi32, #tpu.memory_space<hbm>>
      %dma_wait3A_83 = arith.constant 0 : i32
      %dma_wait3A_84 = arith.constant 0 : i32
      %dma_wait3A_85 = tpu.memref_slice %arg5[%arg0, %arg1, %dma_wait3A_83, %dma_wait3A_84] : memref<2x16x160x128xi32, #tpu.memory_space<hbm>> -> memref<1x1x160x128xi32, #tpu.memory_space<hbm>>
      %dma_wait3A_86 = tpu.memref_squeeze %dma_wait3A_85 : memref<1x1x160x128xi32, #tpu.memory_space<hbm>> -> memref<160x128xi32, #tpu.memory_space<hbm>>
      tpu.wait_dma2 semaphore(%run_scoped3A_71 : memref<!tpu.dma_semaphore, #tpu.memory_space<semaphore_mem>>) src(%dma_wait3A_86 : memref<160x128xi32, #tpu.memory_space<hbm>>) dst(%arg9 : memref<160x128xi32, #tpu.memory_space<vmem>>)
      tpu.yield
    }) : () -> ()
    %mul3A = arith.constant 640 : i32
    %mul3A_0 = arith.muli %arg1, %mul3A : i32
    "tpu.region"() ({
      %run_scoped3A_71 = tpu.sem_alloc : memref<!tpu.dma_semaphore, #tpu.memory_space<semaphore_mem>>
      %dma_start3A_72 = arith.constant 0 : i32
      %dma_start3A_73 = tpu.memref_slice %arg18[%mul3A_0, %dma_start3A_72] : memref<10240x64xf32, #tpu.memory_space<vmem_shared>> -> memref<640x64xf32, #tpu.memory_space<vmem_shared>>
      tpu.enqueue_dma source(%arg6 : memref<640x64xf32, #tpu.memory_space<hbm>>) target(%dma_start3A_73 : memref<640x64xf32, #tpu.memory_space<vmem_shared>>) target_semaphore(%run_scoped3A_71 : memref<!tpu.dma_semaphore, #tpu.memory_space<semaphore_mem>>)
      %dma_wait3A = arith.constant 0 : i32
      %dma_wait3A_74 = tpu.memref_slice %arg18[%mul3A_0, %dma_wait3A] : memref<10240x64xf32, #tpu.memory_space<vmem_shared>> -> memref<640x64xf32, #tpu.memory_space<vmem_shared>>
      tpu.wait_dma2 semaphore(%run_scoped3A_71 : memref<!tpu.dma_semaphore, #tpu.memory_space<semaphore_mem>>) src(%arg6 : memref<640x64xf32, #tpu.memory_space<hbm>>) dst(%dma_wait3A_74 : memref<640x64xf32, #tpu.memory_space<vmem_shared>>)
      tpu.yield
    }) : () -> ()
    %barrier3A = arith.constant 0 : index
    tpu.barrier barrier_id(%barrier3A)
    %dma_start3A = arith.constant 0 : i32
    %dma_start3A_1 = arith.constant 0 : i32
    %dma_start3A_2 = tpu.memref_slice %arg8[%dma_start3A, %dma_start3A_1] : memref<160x128xi32, #tpu.memory_space<vmem>> -> memref<1x128xi32, #tpu.memory_space<vmem>>
    %dma_start3A_3 = tpu.memref_squeeze %dma_start3A_2 : memref<1x128xi32, #tpu.memory_space<vmem>> -> memref<128xi32, #tpu.memory_space<vmem>>
    %dma_start3A_4 = arith.constant 0 : i32
    %dma_start3A_5 = arith.constant 0 : i32
    %dma_start3A_6 = tpu.memref_slice %arg2[%dma_start3A_4, %dma_start3A_5] : memref<20096x64xf32, #tpu.memory_space<hbm>> -> memref<20096x64xf32, #tpu.memory_space<hbm>>
    tpu.enqueue_indirect_dma source(%dma_start3A_6 : memref<20096x64xf32, #tpu.memory_space<hbm>>) target(%arg10 : memref<128x64xf32, #tpu.memory_space<vmem>>) offsets(%dma_start3A_3 : memref<128xi32, #tpu.memory_space<vmem>>) semaphore(%arg14 : memref<!tpu.dma_semaphore, #tpu.memory_space<semaphore_mem>>)
    %dma_start3A_7 = arith.constant 1 : i32
    %dma_start3A_8 = arith.constant 0 : i32
    %dma_start3A_9 = tpu.memref_slice %arg8[%dma_start3A_7, %dma_start3A_8] : memref<160x128xi32, #tpu.memory_space<vmem>> -> memref<1x128xi32, #tpu.memory_space<vmem>>
    %dma_start3A_10 = tpu.memref_squeeze %dma_start3A_9 : memref<1x128xi32, #tpu.memory_space<vmem>> -> memref<128xi32, #tpu.memory_space<vmem>>
    %dma_start3A_11 = arith.constant 0 : i32
    %dma_start3A_12 = arith.constant 0 : i32
    %dma_start3A_13 = tpu.memref_slice %arg2[%dma_start3A_11, %dma_start3A_12] : memref<20096x64xf32, #tpu.memory_space<hbm>> -> memref<20096x64xf32, #tpu.memory_space<hbm>>
    tpu.enqueue_indirect_dma source(%dma_start3A_13 : memref<20096x64xf32, #tpu.memory_space<hbm>>) target(%arg11 : memref<128x64xf32, #tpu.memory_space<vmem>>) offsets(%dma_start3A_10 : memref<128xi32, #tpu.memory_space<vmem>>) semaphore(%arg15 : memref<!tpu.dma_semaphore, #tpu.memory_space<semaphore_mem>>)
    %dma_start3A_14 = arith.constant 2 : i32
    %dma_start3A_15 = arith.constant 0 : i32
    %dma_start3A_16 = tpu.memref_slice %arg8[%dma_start3A_14, %dma_start3A_15] : memref<160x128xi32, #tpu.memory_space<vmem>> -> memref<1x128xi32, #tpu.memory_space<vmem>>
    %dma_start3A_17 = tpu.memref_squeeze %dma_start3A_16 : memref<1x128xi32, #tpu.memory_space<vmem>> -> memref<128xi32, #tpu.memory_space<vmem>>
    %dma_start3A_18 = arith.constant 0 : i32
    %dma_start3A_19 = arith.constant 0 : i32
    %dma_start3A_20 = tpu.memref_slice %arg2[%dma_start3A_18, %dma_start3A_19] : memref<20096x64xf32, #tpu.memory_space<hbm>> -> memref<20096x64xf32, #tpu.memory_space<hbm>>
    tpu.enqueue_indirect_dma source(%dma_start3A_20 : memref<20096x64xf32, #tpu.memory_space<hbm>>) target(%arg12 : memref<128x64xf32, #tpu.memory_space<vmem>>) offsets(%dma_start3A_17 : memref<128xi32, #tpu.memory_space<vmem>>) semaphore(%arg16 : memref<!tpu.dma_semaphore, #tpu.memory_space<semaphore_mem>>)
    %dma_start3A_21 = arith.constant 3 : i32
    %dma_start3A_22 = arith.constant 0 : i32
    %dma_start3A_23 = tpu.memref_slice %arg8[%dma_start3A_21, %dma_start3A_22] : memref<160x128xi32, #tpu.memory_space<vmem>> -> memref<1x128xi32, #tpu.memory_space<vmem>>
    %dma_start3A_24 = tpu.memref_squeeze %dma_start3A_23 : memref<1x128xi32, #tpu.memory_space<vmem>> -> memref<128xi32, #tpu.memory_space<vmem>>
    %dma_start3A_25 = arith.constant 0 : i32
    %dma_start3A_26 = arith.constant 0 : i32
    %dma_start3A_27 = tpu.memref_slice %arg2[%dma_start3A_25, %dma_start3A_26] : memref<20096x64xf32, #tpu.memory_space<hbm>> -> memref<20096x64xf32, #tpu.memory_space<hbm>>
    tpu.enqueue_indirect_dma source(%dma_start3A_27 : memref<20096x64xf32, #tpu.memory_space<hbm>>) target(%arg13 : memref<128x64xf32, #tpu.memory_space<vmem>>) offsets(%dma_start3A_24 : memref<128xi32, #tpu.memory_space<vmem>>) semaphore(%arg17 : memref<!tpu.dma_semaphore, #tpu.memory_space<semaphore_mem>>)
    %scan3A = arith.constant 0 : i32
    %scan3A_28 = arith.constant 0 : i32
    %scan3A_29 = arith.constant 40 : i32
    %scan3A_30 = arith.addi %scan3A_28, %scan3A_29 : i32
    %scan3A_31 = arith.constant 1 : i32
    scf.for %scan3A_71 = %scan3A_28 to %scan3A_30 step %scan3A_31  : i32 {
      %mul3A_72 = arith.constant 4 : i32
      %mul3A_73 = arith.muli %mul3A_72, %scan3A_71 : i32
      %add3A = arith.constant 0 : i32
      %add3A_74 = arith.addi %mul3A_73, %add3A : i32
      %dma_wait3A = arith.constant 0 : i32
      %dma_wait3A_75 = tpu.memref_slice %arg8[%add3A_74, %dma_wait3A] : memref<160x128xi32, #tpu.memory_space<vmem>> -> memref<1x128xi32, #tpu.memory_space<vmem>>
      %dma_wait3A_76 = tpu.memref_squeeze %dma_wait3A_75 : memref<1x128xi32, #tpu.memory_space<vmem>> -> memref<128xi32, #tpu.memory_space<vmem>>
      %dma_wait3A_77 = arith.constant 0 : i32
      %dma_wait3A_78 = arith.constant 0 : i32
      %dma_wait3A_79 = tpu.memref_slice %arg2[%dma_wait3A_77, %dma_wait3A_78] : memref<20096x64xf32, #tpu.memory_space<hbm>> -> memref<20096x64xf32, #tpu.memory_space<hbm>>
      tpu.wait_indirect_dma semaphore(%arg14 : memref<!tpu.dma_semaphore, #tpu.memory_space<semaphore_mem>>) src(%dma_wait3A_79 : memref<20096x64xf32, #tpu.memory_space<hbm>>) dst(%arg10 : memref<128x64xf32, #tpu.memory_space<vmem>>)
      "tpu.region"() ({
        %run_scoped3A_135 = tpu.sem_alloc : memref<!tpu.dma_semaphore, #tpu.memory_space<semaphore_mem>>
        %dma_start3A_136 = arith.constant 0 : i32
        %dma_start3A_137 = tpu.memref_slice %arg9[%add3A_74, %dma_start3A_136] : memref<160x128xi32, #tpu.memory_space<vmem>> -> memref<1x128xi32, #tpu.memory_space<vmem>>
        %dma_start3A_138 = tpu.memref_squeeze %dma_start3A_137 : memref<1x128xi32, #tpu.memory_space<vmem>> -> memref<128xi32, #tpu.memory_space<vmem>>
        %dma_start3A_139 = arith.constant 0 : i32
        %dma_start3A_140 = arith.constant 0 : i32
        %dma_start3A_141 = tpu.memref_slice %arg18[%dma_start3A_139, %dma_start3A_140] : memref<10240x64xf32, #tpu.memory_space<vmem_shared>> -> memref<10240x64xf32, #tpu.memory_space<vmem_shared>>
        tpu.enqueue_indirect_dma source(%arg10 : memref<128x64xf32, #tpu.memory_space<vmem>>) target(%dma_start3A_141 : memref<10240x64xf32, #tpu.memory_space<vmem_shared>>) offsets(%dma_start3A_138 : memref<128xi32, #tpu.memory_space<vmem>>) semaphore(%run_scoped3A_135 : memref<!tpu.dma_semaphore, #tpu.memory_space<semaphore_mem>>) {add = true}
        %dma_wait3A_142 = arith.constant 0 : i32
        %dma_wait3A_143 = tpu.memref_slice %arg9[%add3A_74, %dma_wait3A_142] : memref<160x128xi32, #tpu.memory_space<vmem>> -> memref<1x128xi32, #tpu.memory_space<vmem>>
        %dma_wait3A_144 = tpu.memref_squeeze %dma_wait3A_143 : memref<1x128xi32, #tpu.memory_space<vmem>> -> memref<128xi32, #tpu.memory_space<vmem>>
        %dma_wait3A_145 = arith.constant 0 : i32
        %dma_wait3A_146 = arith.constant 0 : i32
        %dma_wait3A_147 = tpu.memref_slice %arg18[%dma_wait3A_145, %dma_wait3A_146] : memref<10240x64xf32, #tpu.memory_space<vmem_shared>> -> memref<10240x64xf32, #tpu.memory_space<vmem_shared>>
        tpu.wait_indirect_dma semaphore(%run_scoped3A_135 : memref<!tpu.dma_semaphore, #tpu.memory_space<semaphore_mem>>) src(%arg10 : memref<128x64xf32, #tpu.memory_space<vmem>>) dst(%dma_wait3A_147 : memref<10240x64xf32, #tpu.memory_space<vmem_shared>>)
        tpu.yield
      }) : () -> ()
      %add3A_80 = arith.constant 4 : i32
      %add3A_81 = arith.addi %add3A_74, %add3A_80 : i32
      %lt3A = arith.constant 160 : i32
      %lt3A_82 = arith.cmpi slt, %add3A_81, %lt3A : i32
      %convert_element_type3A = arith.extui %lt3A_82 : i1 to i32
      %cond3A = arith.constant 0 : i32
      %cond3A_83 = arith.cmpi ne, %convert_element_type3A, %cond3A : i32
      scf.if %cond3A_83 {
        %add3A_135 = arith.constant 4 : i32
        %add3A_136 = arith.addi %add3A_74, %add3A_135 : i32
        %dma_start3A_137 = arith.constant 0 : i32
        %dma_start3A_138 = tpu.memref_slice %arg8[%add3A_136, %dma_start3A_137] : memref<160x128xi32, #tpu.memory_space<vmem>> -> memref<1x128xi32, #tpu.memory_space<vmem>>
        %dma_start3A_139 = tpu.memref_squeeze %dma_start3A_138 : memref<1x128xi32, #tpu.memory_space<vmem>> -> memref<128xi32, #tpu.memory_space<vmem>>
        %dma_start3A_140 = arith.constant 0 : i32
        %dma_start3A_141 = arith.constant 0 : i32
        %dma_start3A_142 = tpu.memref_slice %arg2[%dma_start3A_140, %dma_start3A_141] : memref<20096x64xf32, #tpu.memory_space<hbm>> -> memref<20096x64xf32, #tpu.memory_space<hbm>>
        tpu.enqueue_indirect_dma source(%dma_start3A_142 : memref<20096x64xf32, #tpu.memory_space<hbm>>) target(%arg10 : memref<128x64xf32, #tpu.memory_space<vmem>>) offsets(%dma_start3A_139 : memref<128xi32, #tpu.memory_space<vmem>>) semaphore(%arg14 : memref<!tpu.dma_semaphore, #tpu.memory_space<semaphore_mem>>)
      } else {
      }
      %mul3A_84 = arith.constant 4 : i32
      %mul3A_85 = arith.muli %mul3A_84, %scan3A_71 : i32
      %add3A_86 = arith.constant 1 : i32
      %add3A_87 = arith.addi %mul3A_85, %add3A_86 : i32
      %dma_wait3A_88 = arith.constant 0 : i32
      %dma_wait3A_89 = tpu.memref_slice %arg8[%add3A_87, %dma_wait3A_88] : memref<160x128xi32, #tpu.memory_space<vmem>> -> memref<1x128xi32, #tpu.memory_space<vmem>>
      %dma_wait3A_90 = tpu.memref_squeeze %dma_wait3A_89 : memref<1x128xi32, #tpu.memory_space<vmem>> -> memref<128xi32, #tpu.memory_space<vmem>>
      %dma_wait3A_91 = arith.constant 0 : i32
      %dma_wait3A_92 = arith.constant 0 : i32
      %dma_wait3A_93 = tpu.memref_slice %arg2[%dma_wait3A_91, %dma_wait3A_92] : memref<20096x64xf32, #tpu.memory_space<hbm>> -> memref<20096x64xf32, #tpu.memory_space<hbm>>
      tpu.wait_indirect_dma semaphore(%arg15 : memref<!tpu.dma_semaphore, #tpu.memory_space<semaphore_mem>>) src(%dma_wait3A_93 : memref<20096x64xf32, #tpu.memory_space<hbm>>) dst(%arg11 : memref<128x64xf32, #tpu.memory_space<vmem>>)
      "tpu.region"() ({
        %run_scoped3A_135 = tpu.sem_alloc : memref<!tpu.dma_semaphore, #tpu.memory_space<semaphore_mem>>
        %dma_start3A_136 = arith.constant 0 : i32
        %dma_start3A_137 = tpu.memref_slice %arg9[%add3A_87, %dma_start3A_136] : memref<160x128xi32, #tpu.memory_space<vmem>> -> memref<1x128xi32, #tpu.memory_space<vmem>>
        %dma_start3A_138 = tpu.memref_squeeze %dma_start3A_137 : memref<1x128xi32, #tpu.memory_space<vmem>> -> memref<128xi32, #tpu.memory_space<vmem>>
        %dma_start3A_139 = arith.constant 0 : i32
        %dma_start3A_140 = arith.constant 0 : i32
        %dma_start3A_141 = tpu.memref_slice %arg18[%dma_start3A_139, %dma_start3A_140] : memref<10240x64xf32, #tpu.memory_space<vmem_shared>> -> memref<10240x64xf32, #tpu.memory_space<vmem_shared>>
        tpu.enqueue_indirect_dma source(%arg11 : memref<128x64xf32, #tpu.memory_space<vmem>>) target(%dma_start3A_141 : memref<10240x64xf32, #tpu.memory_space<vmem_shared>>) offsets(%dma_start3A_138 : memref<128xi32, #tpu.memory_space<vmem>>) semaphore(%run_scoped3A_135 : memref<!tpu.dma_semaphore, #tpu.memory_space<semaphore_mem>>) {add = true}
        %dma_wait3A_142 = arith.constant 0 : i32
        %dma_wait3A_143 = tpu.memref_slice %arg9[%add3A_87, %dma_wait3A_142] : memref<160x128xi32, #tpu.memory_space<vmem>> -> memref<1x128xi32, #tpu.memory_space<vmem>>
        %dma_wait3A_144 = tpu.memref_squeeze %dma_wait3A_143 : memref<1x128xi32, #tpu.memory_space<vmem>> -> memref<128xi32, #tpu.memory_space<vmem>>
        %dma_wait3A_145 = arith.constant 0 : i32
        %dma_wait3A_146 = arith.constant 0 : i32
        %dma_wait3A_147 = tpu.memref_slice %arg18[%dma_wait3A_145, %dma_wait3A_146] : memref<10240x64xf32, #tpu.memory_space<vmem_shared>> -> memref<10240x64xf32, #tpu.memory_space<vmem_shared>>
        tpu.wait_indirect_dma semaphore(%run_scoped3A_135 : memref<!tpu.dma_semaphore, #tpu.memory_space<semaphore_mem>>) src(%arg11 : memref<128x64xf32, #tpu.memory_space<vmem>>) dst(%dma_wait3A_147 : memref<10240x64xf32, #tpu.memory_space<vmem_shared>>)
        tpu.yield
      }) : () -> ()
      %add3A_94 = arith.constant 4 : i32
      %add3A_95 = arith.addi %add3A_87, %add3A_94 : i32
      %lt3A_96 = arith.constant 160 : i32
      %lt3A_97 = arith.cmpi slt, %add3A_95, %lt3A_96 : i32
      %convert_element_type3A_98 = arith.extui %lt3A_97 : i1 to i32
      %cond3A_99 = arith.constant 0 : i32
      %cond3A_100 = arith.cmpi ne, %convert_element_type3A_98, %cond3A_99 : i32
      scf.if %cond3A_100 {
        %add3A_135 = arith.constant 4 : i32
        %add3A_136 = arith.addi %add3A_87, %add3A_135 : i32
        %dma_start3A_137 = arith.constant 0 : i32
        %dma_start3A_138 = tpu.memref_slice %arg8[%add3A_136, %dma_start3A_137] : memref<160x128xi32, #tpu.memory_space<vmem>> -> memref<1x128xi32, #tpu.memory_space<vmem>>
        %dma_start3A_139 = tpu.memref_squeeze %dma_start3A_138 : memref<1x128xi32, #tpu.memory_space<vmem>> -> memref<128xi32, #tpu.memory_space<vmem>>
        %dma_start3A_140 = arith.constant 0 : i32
        %dma_start3A_141 = arith.constant 0 : i32
        %dma_start3A_142 = tpu.memref_slice %arg2[%dma_start3A_140, %dma_start3A_141] : memref<20096x64xf32, #tpu.memory_space<hbm>> -> memref<20096x64xf32, #tpu.memory_space<hbm>>
        tpu.enqueue_indirect_dma source(%dma_start3A_142 : memref<20096x64xf32, #tpu.memory_space<hbm>>) target(%arg11 : memref<128x64xf32, #tpu.memory_space<vmem>>) offsets(%dma_start3A_139 : memref<128xi32, #tpu.memory_space<vmem>>) semaphore(%arg15 : memref<!tpu.dma_semaphore, #tpu.memory_space<semaphore_mem>>)
      } else {
      }
      %mul3A_101 = arith.constant 4 : i32
      %mul3A_102 = arith.muli %mul3A_101, %scan3A_71 : i32
      %add3A_103 = arith.constant 2 : i32
      %add3A_104 = arith.addi %mul3A_102, %add3A_103 : i32
      %dma_wait3A_105 = arith.constant 0 : i32
      %dma_wait3A_106 = tpu.memref_slice %arg8[%add3A_104, %dma_wait3A_105] : memref<160x128xi32, #tpu.memory_space<vmem>> -> memref<1x128xi32, #tpu.memory_space<vmem>>
      %dma_wait3A_107 = tpu.memref_squeeze %dma_wait3A_106 : memref<1x128xi32, #tpu.memory_space<vmem>> -> memref<128xi32, #tpu.memory_space<vmem>>
      %dma_wait3A_108 = arith.constant 0 : i32
      %dma_wait3A_109 = arith.constant 0 : i32
      %dma_wait3A_110 = tpu.memref_slice %arg2[%dma_wait3A_108, %dma_wait3A_109] : memref<20096x64xf32, #tpu.memory_space<hbm>> -> memref<20096x64xf32, #tpu.memory_space<hbm>>
      tpu.wait_indirect_dma semaphore(%arg16 : memref<!tpu.dma_semaphore, #tpu.memory_space<semaphore_mem>>) src(%dma_wait3A_110 : memref<20096x64xf32, #tpu.memory_space<hbm>>) dst(%arg12 : memref<128x64xf32, #tpu.memory_space<vmem>>)
      "tpu.region"() ({
        %run_scoped3A_135 = tpu.sem_alloc : memref<!tpu.dma_semaphore, #tpu.memory_space<semaphore_mem>>
        %dma_start3A_136 = arith.constant 0 : i32
        %dma_start3A_137 = tpu.memref_slice %arg9[%add3A_104, %dma_start3A_136] : memref<160x128xi32, #tpu.memory_space<vmem>> -> memref<1x128xi32, #tpu.memory_space<vmem>>
        %dma_start3A_138 = tpu.memref_squeeze %dma_start3A_137 : memref<1x128xi32, #tpu.memory_space<vmem>> -> memref<128xi32, #tpu.memory_space<vmem>>
        %dma_start3A_139 = arith.constant 0 : i32
        %dma_start3A_140 = arith.constant 0 : i32
        %dma_start3A_141 = tpu.memref_slice %arg18[%dma_start3A_139, %dma_start3A_140] : memref<10240x64xf32, #tpu.memory_space<vmem_shared>> -> memref<10240x64xf32, #tpu.memory_space<vmem_shared>>
        tpu.enqueue_indirect_dma source(%arg12 : memref<128x64xf32, #tpu.memory_space<vmem>>) target(%dma_start3A_141 : memref<10240x64xf32, #tpu.memory_space<vmem_shared>>) offsets(%dma_start3A_138 : memref<128xi32, #tpu.memory_space<vmem>>) semaphore(%run_scoped3A_135 : memref<!tpu.dma_semaphore, #tpu.memory_space<semaphore_mem>>) {add = true}
        %dma_wait3A_142 = arith.constant 0 : i32
        %dma_wait3A_143 = tpu.memref_slice %arg9[%add3A_104, %dma_wait3A_142] : memref<160x128xi32, #tpu.memory_space<vmem>> -> memref<1x128xi32, #tpu.memory_space<vmem>>
        %dma_wait3A_144 = tpu.memref_squeeze %dma_wait3A_143 : memref<1x128xi32, #tpu.memory_space<vmem>> -> memref<128xi32, #tpu.memory_space<vmem>>
        %dma_wait3A_145 = arith.constant 0 : i32
        %dma_wait3A_146 = arith.constant 0 : i32
        %dma_wait3A_147 = tpu.memref_slice %arg18[%dma_wait3A_145, %dma_wait3A_146] : memref<10240x64xf32, #tpu.memory_space<vmem_shared>> -> memref<10240x64xf32, #tpu.memory_space<vmem_shared>>
        tpu.wait_indirect_dma semaphore(%run_scoped3A_135 : memref<!tpu.dma_semaphore, #tpu.memory_space<semaphore_mem>>) src(%arg12 : memref<128x64xf32, #tpu.memory_space<vmem>>) dst(%dma_wait3A_147 : memref<10240x64xf32, #tpu.memory_space<vmem_shared>>)
        tpu.yield
      }) : () -> ()
      %add3A_111 = arith.constant 4 : i32
      %add3A_112 = arith.addi %add3A_104, %add3A_111 : i32
      %lt3A_113 = arith.constant 160 : i32
      %lt3A_114 = arith.cmpi slt, %add3A_112, %lt3A_113 : i32
      %convert_element_type3A_115 = arith.extui %lt3A_114 : i1 to i32
      %cond3A_116 = arith.constant 0 : i32
      %cond3A_117 = arith.cmpi ne, %convert_element_type3A_115, %cond3A_116 : i32
      scf.if %cond3A_117 {
        %add3A_135 = arith.constant 4 : i32
        %add3A_136 = arith.addi %add3A_104, %add3A_135 : i32
        %dma_start3A_137 = arith.constant 0 : i32
        %dma_start3A_138 = tpu.memref_slice %arg8[%add3A_136, %dma_start3A_137] : memref<160x128xi32, #tpu.memory_space<vmem>> -> memref<1x128xi32, #tpu.memory_space<vmem>>
        %dma_start3A_139 = tpu.memref_squeeze %dma_start3A_138 : memref<1x128xi32, #tpu.memory_space<vmem>> -> memref<128xi32, #tpu.memory_space<vmem>>
        %dma_start3A_140 = arith.constant 0 : i32
        %dma_start3A_141 = arith.constant 0 : i32
        %dma_start3A_142 = tpu.memref_slice %arg2[%dma_start3A_140, %dma_start3A_141] : memref<20096x64xf32, #tpu.memory_space<hbm>> -> memref<20096x64xf32, #tpu.memory_space<hbm>>
        tpu.enqueue_indirect_dma source(%dma_start3A_142 : memref<20096x64xf32, #tpu.memory_space<hbm>>) target(%arg12 : memref<128x64xf32, #tpu.memory_space<vmem>>) offsets(%dma_start3A_139 : memref<128xi32, #tpu.memory_space<vmem>>) semaphore(%arg16 : memref<!tpu.dma_semaphore, #tpu.memory_space<semaphore_mem>>)
      } else {
      }
      %mul3A_118 = arith.constant 4 : i32
      %mul3A_119 = arith.muli %mul3A_118, %scan3A_71 : i32
      %add3A_120 = arith.constant 3 : i32
      %add3A_121 = arith.addi %mul3A_119, %add3A_120 : i32
      %dma_wait3A_122 = arith.constant 0 : i32
      %dma_wait3A_123 = tpu.memref_slice %arg8[%add3A_121, %dma_wait3A_122] : memref<160x128xi32, #tpu.memory_space<vmem>> -> memref<1x128xi32, #tpu.memory_space<vmem>>
      %dma_wait3A_124 = tpu.memref_squeeze %dma_wait3A_123 : memref<1x128xi32, #tpu.memory_space<vmem>> -> memref<128xi32, #tpu.memory_space<vmem>>
      %dma_wait3A_125 = arith.constant 0 : i32
      %dma_wait3A_126 = arith.constant 0 : i32
      %dma_wait3A_127 = tpu.memref_slice %arg2[%dma_wait3A_125, %dma_wait3A_126] : memref<20096x64xf32, #tpu.memory_space<hbm>> -> memref<20096x64xf32, #tpu.memory_space<hbm>>
      tpu.wait_indirect_dma semaphore(%arg17 : memref<!tpu.dma_semaphore, #tpu.memory_space<semaphore_mem>>) src(%dma_wait3A_127 : memref<20096x64xf32, #tpu.memory_space<hbm>>) dst(%arg13 : memref<128x64xf32, #tpu.memory_space<vmem>>)
      "tpu.region"() ({
        %run_scoped3A_135 = tpu.sem_alloc : memref<!tpu.dma_semaphore, #tpu.memory_space<semaphore_mem>>
        %dma_start3A_136 = arith.constant 0 : i32
        %dma_start3A_137 = tpu.memref_slice %arg9[%add3A_121, %dma_start3A_136] : memref<160x128xi32, #tpu.memory_space<vmem>> -> memref<1x128xi32, #tpu.memory_space<vmem>>
        %dma_start3A_138 = tpu.memref_squeeze %dma_start3A_137 : memref<1x128xi32, #tpu.memory_space<vmem>> -> memref<128xi32, #tpu.memory_space<vmem>>
        %dma_start3A_139 = arith.constant 0 : i32
        %dma_start3A_140 = arith.constant 0 : i32
        %dma_start3A_141 = tpu.memref_slice %arg18[%dma_start3A_139, %dma_start3A_140] : memref<10240x64xf32, #tpu.memory_space<vmem_shared>> -> memref<10240x64xf32, #tpu.memory_space<vmem_shared>>
        tpu.enqueue_indirect_dma source(%arg13 : memref<128x64xf32, #tpu.memory_space<vmem>>) target(%dma_start3A_141 : memref<10240x64xf32, #tpu.memory_space<vmem_shared>>) offsets(%dma_start3A_138 : memref<128xi32, #tpu.memory_space<vmem>>) semaphore(%run_scoped3A_135 : memref<!tpu.dma_semaphore, #tpu.memory_space<semaphore_mem>>) {add = true}
        %dma_wait3A_142 = arith.constant 0 : i32
        %dma_wait3A_143 = tpu.memref_slice %arg9[%add3A_121, %dma_wait3A_142] : memref<160x128xi32, #tpu.memory_space<vmem>> -> memref<1x128xi32, #tpu.memory_space<vmem>>
        %dma_wait3A_144 = tpu.memref_squeeze %dma_wait3A_143 : memref<1x128xi32, #tpu.memory_space<vmem>> -> memref<128xi32, #tpu.memory_space<vmem>>
        %dma_wait3A_145 = arith.constant 0 : i32
        %dma_wait3A_146 = arith.constant 0 : i32
        %dma_wait3A_147 = tpu.memref_slice %arg18[%dma_wait3A_145, %dma_wait3A_146] : memref<10240x64xf32, #tpu.memory_space<vmem_shared>> -> memref<10240x64xf32, #tpu.memory_space<vmem_shared>>
        tpu.wait_indirect_dma semaphore(%run_scoped3A_135 : memref<!tpu.dma_semaphore, #tpu.memory_space<semaphore_mem>>) src(%arg13 : memref<128x64xf32, #tpu.memory_space<vmem>>) dst(%dma_wait3A_147 : memref<10240x64xf32, #tpu.memory_space<vmem_shared>>)
        tpu.yield
      }) : () -> ()
      %add3A_128 = arith.constant 4 : i32
      %add3A_129 = arith.addi %add3A_121, %add3A_128 : i32
      %lt3A_130 = arith.constant 160 : i32
      %lt3A_131 = arith.cmpi slt, %add3A_129, %lt3A_130 : i32
      %convert_element_type3A_132 = arith.extui %lt3A_131 : i1 to i32
      %cond3A_133 = arith.constant 0 : i32
      %cond3A_134 = arith.cmpi ne, %convert_element_type3A_132, %cond3A_133 : i32
      scf.if %cond3A_134 {
        %add3A_135 = arith.constant 4 : i32
        %add3A_136 = arith.addi %add3A_121, %add3A_135 : i32
        %dma_start3A_137 = arith.constant 0 : i32
        %dma_start3A_138 = tpu.memref_slice %arg8[%add3A_136, %dma_start3A_137] : memref<160x128xi32, #tpu.memory_space<vmem>> -> memref<1x128xi32, #tpu.memory_space<vmem>>
        %dma_start3A_139 = tpu.memref_squeeze %dma_start3A_138 : memref<1x128xi32, #tpu.memory_space<vmem>> -> memref<128xi32, #tpu.memory_space<vmem>>
        %dma_start3A_140 = arith.constant 0 : i32
        %dma_start3A_141 = arith.constant 0 : i32
        %dma_start3A_142 = tpu.memref_slice %arg2[%dma_start3A_140, %dma_start3A_141] : memref<20096x64xf32, #tpu.memory_space<hbm>> -> memref<20096x64xf32, #tpu.memory_space<hbm>>
        tpu.enqueue_indirect_dma source(%dma_start3A_142 : memref<20096x64xf32, #tpu.memory_space<hbm>>) target(%arg13 : memref<128x64xf32, #tpu.memory_space<vmem>>) offsets(%dma_start3A_139 : memref<128xi32, #tpu.memory_space<vmem>>) semaphore(%arg17 : memref<!tpu.dma_semaphore, #tpu.memory_space<semaphore_mem>>)
      } else {
      }
    }
    %scan3A_32 = arith.constant 40 : i32
    %barrier3A_33 = arith.constant 0 : index
    tpu.barrier barrier_id(%barrier3A_33)
    %run_scoped3A = arith.constant 0 : i32
    "tpu.region"() ({
      %run_scoped3A_71 = tpu.sem_alloc : memref<!tpu.dma_semaphore, #tpu.memory_space<semaphore_mem>>
      %dma_start3A_72 = arith.constant 0 : i32
      %dma_start3A_73 = tpu.memref_slice %arg7[%arg0, %run_scoped3A, %mul3A_0, %dma_start3A_72] : memref<2x2x10240x64xf32, #tpu.memory_space<hbm>> -> memref<1x1x640x64xf32, #tpu.memory_space<hbm>>
      %dma_start3A_74 = tpu.memref_squeeze %dma_start3A_73 : memref<1x1x640x64xf32, #tpu.memory_space<hbm>> -> memref<640x64xf32, #tpu.memory_space<hbm>>
      %dma_start3A_75 = arith.constant 0 : i32
      %dma_start3A_76 = tpu.memref_slice %arg18[%mul3A_0, %dma_start3A_75] : memref<10240x64xf32, #tpu.memory_space<vmem_shared>> -> memref<640x64xf32, #tpu.memory_space<vmem_shared>>
      tpu.enqueue_dma source(%dma_start3A_76 : memref<640x64xf32, #tpu.memory_space<vmem_shared>>) target(%dma_start3A_74 : memref<640x64xf32, #tpu.memory_space<hbm>>) target_semaphore(%run_scoped3A_71 : memref<!tpu.dma_semaphore, #tpu.memory_space<semaphore_mem>>)
      %dma_wait3A = arith.constant 0 : i32
      %dma_wait3A_77 = tpu.memref_slice %arg7[%arg0, %run_scoped3A, %mul3A_0, %dma_wait3A] : memref<2x2x10240x64xf32, #tpu.memory_space<hbm>> -> memref<1x1x640x64xf32, #tpu.memory_space<hbm>>
      %dma_wait3A_78 = tpu.memref_squeeze %dma_wait3A_77 : memref<1x1x640x64xf32, #tpu.memory_space<hbm>> -> memref<640x64xf32, #tpu.memory_space<hbm>>
      %dma_wait3A_79 = arith.constant 0 : i32
      %dma_wait3A_80 = tpu.memref_slice %arg18[%mul3A_0, %dma_wait3A_79] : memref<10240x64xf32, #tpu.memory_space<vmem_shared>> -> memref<640x64xf32, #tpu.memory_space<vmem_shared>>
      tpu.wait_dma2 semaphore(%run_scoped3A_71 : memref<!tpu.dma_semaphore, #tpu.memory_space<semaphore_mem>>) src(%dma_wait3A_80 : memref<640x64xf32, #tpu.memory_space<vmem_shared>>) dst(%dma_wait3A_78 : memref<640x64xf32, #tpu.memory_space<hbm>>)
      tpu.yield
    }) : () -> ()
    "tpu.region"() ({
      %run_scoped3A_71 = tpu.sem_alloc : memref<!tpu.dma_semaphore, #tpu.memory_space<semaphore_mem>>
      %dma_start3A_72 = arith.constant 0 : i32
      %dma_start3A_73 = tpu.memref_slice %arg18[%mul3A_0, %dma_start3A_72] : memref<10240x64xf32, #tpu.memory_space<vmem_shared>> -> memref<640x64xf32, #tpu.memory_space<vmem_shared>>
      tpu.enqueue_dma source(%arg6 : memref<640x64xf32, #tpu.memory_space<hbm>>) target(%dma_start3A_73 : memref<640x64xf32, #tpu.memory_space<vmem_shared>>) target_semaphore(%run_scoped3A_71 : memref<!tpu.dma_semaphore, #tpu.memory_space<semaphore_mem>>)
      %dma_wait3A = arith.constant 0 : i32
      %dma_wait3A_74 = tpu.memref_slice %arg18[%mul3A_0, %dma_wait3A] : memref<10240x64xf32, #tpu.memory_space<vmem_shared>> -> memref<640x64xf32, #tpu.memory_space<vmem_shared>>
      tpu.wait_dma2 semaphore(%run_scoped3A_71 : memref<!tpu.dma_semaphore, #tpu.memory_space<semaphore_mem>>) src(%arg6 : memref<640x64xf32, #tpu.memory_space<hbm>>) dst(%dma_wait3A_74 : memref<640x64xf32, #tpu.memory_space<vmem_shared>>)
      tpu.yield
    }) : () -> ()
    %barrier3A_34 = arith.constant 0 : index
    tpu.barrier barrier_id(%barrier3A_34)
    %dma_start3A_35 = arith.constant 0 : i32
    %dma_start3A_36 = arith.constant 0 : i32
    %dma_start3A_37 = tpu.memref_slice %arg8[%dma_start3A_35, %dma_start3A_36] : memref<160x128xi32, #tpu.memory_space<vmem>> -> memref<1x128xi32, #tpu.memory_space<vmem>>
    %dma_start3A_38 = tpu.memref_squeeze %dma_start3A_37 : memref<1x128xi32, #tpu.memory_space<vmem>> -> memref<128xi32, #tpu.memory_space<vmem>>
    %dma_start3A_39 = arith.constant 0 : i32
    %dma_start3A_40 = arith.constant 0 : i32
    %dma_start3A_41 = tpu.memref_slice %arg3[%dma_start3A_39, %dma_start3A_40] : memref<20096x64xf32, #tpu.memory_space<hbm>> -> memref<20096x64xf32, #tpu.memory_space<hbm>>
    tpu.enqueue_indirect_dma source(%dma_start3A_41 : memref<20096x64xf32, #tpu.memory_space<hbm>>) target(%arg10 : memref<128x64xf32, #tpu.memory_space<vmem>>) offsets(%dma_start3A_38 : memref<128xi32, #tpu.memory_space<vmem>>) semaphore(%arg14 : memref<!tpu.dma_semaphore, #tpu.memory_space<semaphore_mem>>)
    %dma_start3A_42 = arith.constant 1 : i32
    %dma_start3A_43 = arith.constant 0 : i32
    %dma_start3A_44 = tpu.memref_slice %arg8[%dma_start3A_42, %dma_start3A_43] : memref<160x128xi32, #tpu.memory_space<vmem>> -> memref<1x128xi32, #tpu.memory_space<vmem>>
    %dma_start3A_45 = tpu.memref_squeeze %dma_start3A_44 : memref<1x128xi32, #tpu.memory_space<vmem>> -> memref<128xi32, #tpu.memory_space<vmem>>
    %dma_start3A_46 = arith.constant 0 : i32
    %dma_start3A_47 = arith.constant 0 : i32
    %dma_start3A_48 = tpu.memref_slice %arg3[%dma_start3A_46, %dma_start3A_47] : memref<20096x64xf32, #tpu.memory_space<hbm>> -> memref<20096x64xf32, #tpu.memory_space<hbm>>
    tpu.enqueue_indirect_dma source(%dma_start3A_48 : memref<20096x64xf32, #tpu.memory_space<hbm>>) target(%arg11 : memref<128x64xf32, #tpu.memory_space<vmem>>) offsets(%dma_start3A_45 : memref<128xi32, #tpu.memory_space<vmem>>) semaphore(%arg15 : memref<!tpu.dma_semaphore, #tpu.memory_space<semaphore_mem>>)
    %dma_start3A_49 = arith.constant 2 : i32
    %dma_start3A_50 = arith.constant 0 : i32
    %dma_start3A_51 = tpu.memref_slice %arg8[%dma_start3A_49, %dma_start3A_50] : memref<160x128xi32, #tpu.memory_space<vmem>> -> memref<1x128xi32, #tpu.memory_space<vmem>>
    %dma_start3A_52 = tpu.memref_squeeze %dma_start3A_51 : memref<1x128xi32, #tpu.memory_space<vmem>> -> memref<128xi32, #tpu.memory_space<vmem>>
    %dma_start3A_53 = arith.constant 0 : i32
    %dma_start3A_54 = arith.constant 0 : i32
    %dma_start3A_55 = tpu.memref_slice %arg3[%dma_start3A_53, %dma_start3A_54] : memref<20096x64xf32, #tpu.memory_space<hbm>> -> memref<20096x64xf32, #tpu.memory_space<hbm>>
    tpu.enqueue_indirect_dma source(%dma_start3A_55 : memref<20096x64xf32, #tpu.memory_space<hbm>>) target(%arg12 : memref<128x64xf32, #tpu.memory_space<vmem>>) offsets(%dma_start3A_52 : memref<128xi32, #tpu.memory_space<vmem>>) semaphore(%arg16 : memref<!tpu.dma_semaphore, #tpu.memory_space<semaphore_mem>>)
    %dma_start3A_56 = arith.constant 3 : i32
    %dma_start3A_57 = arith.constant 0 : i32
    %dma_start3A_58 = tpu.memref_slice %arg8[%dma_start3A_56, %dma_start3A_57] : memref<160x128xi32, #tpu.memory_space<vmem>> -> memref<1x128xi32, #tpu.memory_space<vmem>>
    %dma_start3A_59 = tpu.memref_squeeze %dma_start3A_58 : memref<1x128xi32, #tpu.memory_space<vmem>> -> memref<128xi32, #tpu.memory_space<vmem>>
    %dma_start3A_60 = arith.constant 0 : i32
    %dma_start3A_61 = arith.constant 0 : i32
    %dma_start3A_62 = tpu.memref_slice %arg3[%dma_start3A_60, %dma_start3A_61] : memref<20096x64xf32, #tpu.memory_space<hbm>> -> memref<20096x64xf32, #tpu.memory_space<hbm>>
    tpu.enqueue_indirect_dma source(%dma_start3A_62 : memref<20096x64xf32, #tpu.memory_space<hbm>>) target(%arg13 : memref<128x64xf32, #tpu.memory_space<vmem>>) offsets(%dma_start3A_59 : memref<128xi32, #tpu.memory_space<vmem>>) semaphore(%arg17 : memref<!tpu.dma_semaphore, #tpu.memory_space<semaphore_mem>>)
    %scan3A_63 = arith.constant 0 : i32
    %scan3A_64 = arith.constant 0 : i32
    %scan3A_65 = arith.constant 40 : i32
    %scan3A_66 = arith.addi %scan3A_64, %scan3A_65 : i32
    %scan3A_67 = arith.constant 1 : i32
    scf.for %scan3A_71 = %scan3A_64 to %scan3A_66 step %scan3A_67  : i32 {
      %mul3A_72 = arith.constant 4 : i32
      %mul3A_73 = arith.muli %mul3A_72, %scan3A_71 : i32
      %add3A = arith.constant 0 : i32
      %add3A_74 = arith.addi %mul3A_73, %add3A : i32
      %dma_wait3A = arith.constant 0 : i32
      %dma_wait3A_75 = tpu.memref_slice %arg8[%add3A_74, %dma_wait3A] : memref<160x128xi32, #tpu.memory_space<vmem>> -> memref<1x128xi32, #tpu.memory_space<vmem>>
      %dma_wait3A_76 = tpu.memref_squeeze %dma_wait3A_75 : memref<1x128xi32, #tpu.memory_space<vmem>> -> memref<128xi32, #tpu.memory_space<vmem>>
      %dma_wait3A_77 = arith.constant 0 : i32
      %dma_wait3A_78 = arith.constant 0 : i32
      %dma_wait3A_79 = tpu.memref_slice %arg3[%dma_wait3A_77, %dma_wait3A_78] : memref<20096x64xf32, #tpu.memory_space<hbm>> -> memref<20096x64xf32, #tpu.memory_space<hbm>>
      tpu.wait_indirect_dma semaphore(%arg14 : memref<!tpu.dma_semaphore, #tpu.memory_space<semaphore_mem>>) src(%dma_wait3A_79 : memref<20096x64xf32, #tpu.memory_space<hbm>>) dst(%arg10 : memref<128x64xf32, #tpu.memory_space<vmem>>)
      "tpu.region"() ({
        %run_scoped3A_135 = tpu.sem_alloc : memref<!tpu.dma_semaphore, #tpu.memory_space<semaphore_mem>>
        %dma_start3A_136 = arith.constant 0 : i32
        %dma_start3A_137 = tpu.memref_slice %arg9[%add3A_74, %dma_start3A_136] : memref<160x128xi32, #tpu.memory_space<vmem>> -> memref<1x128xi32, #tpu.memory_space<vmem>>
        %dma_start3A_138 = tpu.memref_squeeze %dma_start3A_137 : memref<1x128xi32, #tpu.memory_space<vmem>> -> memref<128xi32, #tpu.memory_space<vmem>>
        %dma_start3A_139 = arith.constant 0 : i32
        %dma_start3A_140 = arith.constant 0 : i32
        %dma_start3A_141 = tpu.memref_slice %arg18[%dma_start3A_139, %dma_start3A_140] : memref<10240x64xf32, #tpu.memory_space<vmem_shared>> -> memref<10240x64xf32, #tpu.memory_space<vmem_shared>>
        tpu.enqueue_indirect_dma source(%arg10 : memref<128x64xf32, #tpu.memory_space<vmem>>) target(%dma_start3A_141 : memref<10240x64xf32, #tpu.memory_space<vmem_shared>>) offsets(%dma_start3A_138 : memref<128xi32, #tpu.memory_space<vmem>>) semaphore(%run_scoped3A_135 : memref<!tpu.dma_semaphore, #tpu.memory_space<semaphore_mem>>) {add = true}
        %dma_wait3A_142 = arith.constant 0 : i32
        %dma_wait3A_143 = tpu.memref_slice %arg9[%add3A_74, %dma_wait3A_142] : memref<160x128xi32, #tpu.memory_space<vmem>> -> memref<1x128xi32, #tpu.memory_space<vmem>>
        %dma_wait3A_144 = tpu.memref_squeeze %dma_wait3A_143 : memref<1x128xi32, #tpu.memory_space<vmem>> -> memref<128xi32, #tpu.memory_space<vmem>>
        %dma_wait3A_145 = arith.constant 0 : i32
        %dma_wait3A_146 = arith.constant 0 : i32
        %dma_wait3A_147 = tpu.memref_slice %arg18[%dma_wait3A_145, %dma_wait3A_146] : memref<10240x64xf32, #tpu.memory_space<vmem_shared>> -> memref<10240x64xf32, #tpu.memory_space<vmem_shared>>
        tpu.wait_indirect_dma semaphore(%run_scoped3A_135 : memref<!tpu.dma_semaphore, #tpu.memory_space<semaphore_mem>>) src(%arg10 : memref<128x64xf32, #tpu.memory_space<vmem>>) dst(%dma_wait3A_147 : memref<10240x64xf32, #tpu.memory_space<vmem_shared>>)
        tpu.yield
      }) : () -> ()
      %add3A_80 = arith.constant 4 : i32
      %add3A_81 = arith.addi %add3A_74, %add3A_80 : i32
      %lt3A = arith.constant 160 : i32
      %lt3A_82 = arith.cmpi slt, %add3A_81, %lt3A : i32
      %convert_element_type3A = arith.extui %lt3A_82 : i1 to i32
      %cond3A = arith.constant 0 : i32
      %cond3A_83 = arith.cmpi ne, %convert_element_type3A, %cond3A : i32
      scf.if %cond3A_83 {
        %add3A_135 = arith.constant 4 : i32
        %add3A_136 = arith.addi %add3A_74, %add3A_135 : i32
        %dma_start3A_137 = arith.constant 0 : i32
        %dma_start3A_138 = tpu.memref_slice %arg8[%add3A_136, %dma_start3A_137] : memref<160x128xi32, #tpu.memory_space<vmem>> -> memref<1x128xi32, #tpu.memory_space<vmem>>
        %dma_start3A_139 = tpu.memref_squeeze %dma_start3A_138 : memref<1x128xi32, #tpu.memory_space<vmem>> -> memref<128xi32, #tpu.memory_space<vmem>>
        %dma_start3A_140 = arith.constant 0 : i32
        %dma_start3A_141 = arith.constant 0 : i32
        %dma_start3A_142 = tpu.memref_slice %arg3[%dma_start3A_140, %dma_start3A_141] : memref<20096x64xf32, #tpu.memory_space<hbm>> -> memref<20096x64xf32, #tpu.memory_space<hbm>>
        tpu.enqueue_indirect_dma source(%dma_start3A_142 : memref<20096x64xf32, #tpu.memory_space<hbm>>) target(%arg10 : memref<128x64xf32, #tpu.memory_space<vmem>>) offsets(%dma_start3A_139 : memref<128xi32, #tpu.memory_space<vmem>>) semaphore(%arg14 : memref<!tpu.dma_semaphore, #tpu.memory_space<semaphore_mem>>)
      } else {
      }
      %mul3A_84 = arith.constant 4 : i32
      %mul3A_85 = arith.muli %mul3A_84, %scan3A_71 : i32
      %add3A_86 = arith.constant 1 : i32
      %add3A_87 = arith.addi %mul3A_85, %add3A_86 : i32
      %dma_wait3A_88 = arith.constant 0 : i32
      %dma_wait3A_89 = tpu.memref_slice %arg8[%add3A_87, %dma_wait3A_88] : memref<160x128xi32, #tpu.memory_space<vmem>> -> memref<1x128xi32, #tpu.memory_space<vmem>>
      %dma_wait3A_90 = tpu.memref_squeeze %dma_wait3A_89 : memref<1x128xi32, #tpu.memory_space<vmem>> -> memref<128xi32, #tpu.memory_space<vmem>>
      %dma_wait3A_91 = arith.constant 0 : i32
      %dma_wait3A_92 = arith.constant 0 : i32
      %dma_wait3A_93 = tpu.memref_slice %arg3[%dma_wait3A_91, %dma_wait3A_92] : memref<20096x64xf32, #tpu.memory_space<hbm>> -> memref<20096x64xf32, #tpu.memory_space<hbm>>
      tpu.wait_indirect_dma semaphore(%arg15 : memref<!tpu.dma_semaphore, #tpu.memory_space<semaphore_mem>>) src(%dma_wait3A_93 : memref<20096x64xf32, #tpu.memory_space<hbm>>) dst(%arg11 : memref<128x64xf32, #tpu.memory_space<vmem>>)
      "tpu.region"() ({
        %run_scoped3A_135 = tpu.sem_alloc : memref<!tpu.dma_semaphore, #tpu.memory_space<semaphore_mem>>
        %dma_start3A_136 = arith.constant 0 : i32
        %dma_start3A_137 = tpu.memref_slice %arg9[%add3A_87, %dma_start3A_136] : memref<160x128xi32, #tpu.memory_space<vmem>> -> memref<1x128xi32, #tpu.memory_space<vmem>>
        %dma_start3A_138 = tpu.memref_squeeze %dma_start3A_137 : memref<1x128xi32, #tpu.memory_space<vmem>> -> memref<128xi32, #tpu.memory_space<vmem>>
        %dma_start3A_139 = arith.constant 0 : i32
        %dma_start3A_140 = arith.constant 0 : i32
        %dma_start3A_141 = tpu.memref_slice %arg18[%dma_start3A_139, %dma_start3A_140] : memref<10240x64xf32, #tpu.memory_space<vmem_shared>> -> memref<10240x64xf32, #tpu.memory_space<vmem_shared>>
        tpu.enqueue_indirect_dma source(%arg11 : memref<128x64xf32, #tpu.memory_space<vmem>>) target(%dma_start3A_141 : memref<10240x64xf32, #tpu.memory_space<vmem_shared>>) offsets(%dma_start3A_138 : memref<128xi32, #tpu.memory_space<vmem>>) semaphore(%run_scoped3A_135 : memref<!tpu.dma_semaphore, #tpu.memory_space<semaphore_mem>>) {add = true}
        %dma_wait3A_142 = arith.constant 0 : i32
        %dma_wait3A_143 = tpu.memref_slice %arg9[%add3A_87, %dma_wait3A_142] : memref<160x128xi32, #tpu.memory_space<vmem>> -> memref<1x128xi32, #tpu.memory_space<vmem>>
        %dma_wait3A_144 = tpu.memref_squeeze %dma_wait3A_143 : memref<1x128xi32, #tpu.memory_space<vmem>> -> memref<128xi32, #tpu.memory_space<vmem>>
        %dma_wait3A_145 = arith.constant 0 : i32
        %dma_wait3A_146 = arith.constant 0 : i32
        %dma_wait3A_147 = tpu.memref_slice %arg18[%dma_wait3A_145, %dma_wait3A_146] : memref<10240x64xf32, #tpu.memory_space<vmem_shared>> -> memref<10240x64xf32, #tpu.memory_space<vmem_shared>>
        tpu.wait_indirect_dma semaphore(%run_scoped3A_135 : memref<!tpu.dma_semaphore, #tpu.memory_space<semaphore_mem>>) src(%arg11 : memref<128x64xf32, #tpu.memory_space<vmem>>) dst(%dma_wait3A_147 : memref<10240x64xf32, #tpu.memory_space<vmem_shared>>)
        tpu.yield
      }) : () -> ()
      %add3A_94 = arith.constant 4 : i32
      %add3A_95 = arith.addi %add3A_87, %add3A_94 : i32
      %lt3A_96 = arith.constant 160 : i32
      %lt3A_97 = arith.cmpi slt, %add3A_95, %lt3A_96 : i32
      %convert_element_type3A_98 = arith.extui %lt3A_97 : i1 to i32
      %cond3A_99 = arith.constant 0 : i32
      %cond3A_100 = arith.cmpi ne, %convert_element_type3A_98, %cond3A_99 : i32
      scf.if %cond3A_100 {
        %add3A_135 = arith.constant 4 : i32
        %add3A_136 = arith.addi %add3A_87, %add3A_135 : i32
        %dma_start3A_137 = arith.constant 0 : i32
        %dma_start3A_138 = tpu.memref_slice %arg8[%add3A_136, %dma_start3A_137] : memref<160x128xi32, #tpu.memory_space<vmem>> -> memref<1x128xi32, #tpu.memory_space<vmem>>
        %dma_start3A_139 = tpu.memref_squeeze %dma_start3A_138 : memref<1x128xi32, #tpu.memory_space<vmem>> -> memref<128xi32, #tpu.memory_space<vmem>>
        %dma_start3A_140 = arith.constant 0 : i32
        %dma_start3A_141 = arith.constant 0 : i32
        %dma_start3A_142 = tpu.memref_slice %arg3[%dma_start3A_140, %dma_start3A_141] : memref<20096x64xf32, #tpu.memory_space<hbm>> -> memref<20096x64xf32, #tpu.memory_space<hbm>>
        tpu.enqueue_indirect_dma source(%dma_start3A_142 : memref<20096x64xf32, #tpu.memory_space<hbm>>) target(%arg11 : memref<128x64xf32, #tpu.memory_space<vmem>>) offsets(%dma_start3A_139 : memref<128xi32, #tpu.memory_space<vmem>>) semaphore(%arg15 : memref<!tpu.dma_semaphore, #tpu.memory_space<semaphore_mem>>)
      } else {
      }
      %mul3A_101 = arith.constant 4 : i32
      %mul3A_102 = arith.muli %mul3A_101, %scan3A_71 : i32
      %add3A_103 = arith.constant 2 : i32
      %add3A_104 = arith.addi %mul3A_102, %add3A_103 : i32
      %dma_wait3A_105 = arith.constant 0 : i32
      %dma_wait3A_106 = tpu.memref_slice %arg8[%add3A_104, %dma_wait3A_105] : memref<160x128xi32, #tpu.memory_space<vmem>> -> memref<1x128xi32, #tpu.memory_space<vmem>>
      %dma_wait3A_107 = tpu.memref_squeeze %dma_wait3A_106 : memref<1x128xi32, #tpu.memory_space<vmem>> -> memref<128xi32, #tpu.memory_space<vmem>>
      %dma_wait3A_108 = arith.constant 0 : i32
      %dma_wait3A_109 = arith.constant 0 : i32
      %dma_wait3A_110 = tpu.memref_slice %arg3[%dma_wait3A_108, %dma_wait3A_109] : memref<20096x64xf32, #tpu.memory_space<hbm>> -> memref<20096x64xf32, #tpu.memory_space<hbm>>
      tpu.wait_indirect_dma semaphore(%arg16 : memref<!tpu.dma_semaphore, #tpu.memory_space<semaphore_mem>>) src(%dma_wait3A_110 : memref<20096x64xf32, #tpu.memory_space<hbm>>) dst(%arg12 : memref<128x64xf32, #tpu.memory_space<vmem>>)
      "tpu.region"() ({
        %run_scoped3A_135 = tpu.sem_alloc : memref<!tpu.dma_semaphore, #tpu.memory_space<semaphore_mem>>
        %dma_start3A_136 = arith.constant 0 : i32
        %dma_start3A_137 = tpu.memref_slice %arg9[%add3A_104, %dma_start3A_136] : memref<160x128xi32, #tpu.memory_space<vmem>> -> memref<1x128xi32, #tpu.memory_space<vmem>>
        %dma_start3A_138 = tpu.memref_squeeze %dma_start3A_137 : memref<1x128xi32, #tpu.memory_space<vmem>> -> memref<128xi32, #tpu.memory_space<vmem>>
        %dma_start3A_139 = arith.constant 0 : i32
        %dma_start3A_140 = arith.constant 0 : i32
        %dma_start3A_141 = tpu.memref_slice %arg18[%dma_start3A_139, %dma_start3A_140] : memref<10240x64xf32, #tpu.memory_space<vmem_shared>> -> memref<10240x64xf32, #tpu.memory_space<vmem_shared>>
        tpu.enqueue_indirect_dma source(%arg12 : memref<128x64xf32, #tpu.memory_space<vmem>>) target(%dma_start3A_141 : memref<10240x64xf32, #tpu.memory_space<vmem_shared>>) offsets(%dma_start3A_138 : memref<128xi32, #tpu.memory_space<vmem>>) semaphore(%run_scoped3A_135 : memref<!tpu.dma_semaphore, #tpu.memory_space<semaphore_mem>>) {add = true}
        %dma_wait3A_142 = arith.constant 0 : i32
        %dma_wait3A_143 = tpu.memref_slice %arg9[%add3A_104, %dma_wait3A_142] : memref<160x128xi32, #tpu.memory_space<vmem>> -> memref<1x128xi32, #tpu.memory_space<vmem>>
        %dma_wait3A_144 = tpu.memref_squeeze %dma_wait3A_143 : memref<1x128xi32, #tpu.memory_space<vmem>> -> memref<128xi32, #tpu.memory_space<vmem>>
        %dma_wait3A_145 = arith.constant 0 : i32
        %dma_wait3A_146 = arith.constant 0 : i32
        %dma_wait3A_147 = tpu.memref_slice %arg18[%dma_wait3A_145, %dma_wait3A_146] : memref<10240x64xf32, #tpu.memory_space<vmem_shared>> -> memref<10240x64xf32, #tpu.memory_space<vmem_shared>>
        tpu.wait_indirect_dma semaphore(%run_scoped3A_135 : memref<!tpu.dma_semaphore, #tpu.memory_space<semaphore_mem>>) src(%arg12 : memref<128x64xf32, #tpu.memory_space<vmem>>) dst(%dma_wait3A_147 : memref<10240x64xf32, #tpu.memory_space<vmem_shared>>)
        tpu.yield
      }) : () -> ()
      %add3A_111 = arith.constant 4 : i32
      %add3A_112 = arith.addi %add3A_104, %add3A_111 : i32
      %lt3A_113 = arith.constant 160 : i32
      %lt3A_114 = arith.cmpi slt, %add3A_112, %lt3A_113 : i32
      %convert_element_type3A_115 = arith.extui %lt3A_114 : i1 to i32
      %cond3A_116 = arith.constant 0 : i32
      %cond3A_117 = arith.cmpi ne, %convert_element_type3A_115, %cond3A_116 : i32
      scf.if %cond3A_117 {
        %add3A_135 = arith.constant 4 : i32
        %add3A_136 = arith.addi %add3A_104, %add3A_135 : i32
        %dma_start3A_137 = arith.constant 0 : i32
        %dma_start3A_138 = tpu.memref_slice %arg8[%add3A_136, %dma_start3A_137] : memref<160x128xi32, #tpu.memory_space<vmem>> -> memref<1x128xi32, #tpu.memory_space<vmem>>
        %dma_start3A_139 = tpu.memref_squeeze %dma_start3A_138 : memref<1x128xi32, #tpu.memory_space<vmem>> -> memref<128xi32, #tpu.memory_space<vmem>>
        %dma_start3A_140 = arith.constant 0 : i32
        %dma_start3A_141 = arith.constant 0 : i32
        %dma_start3A_142 = tpu.memref_slice %arg3[%dma_start3A_140, %dma_start3A_141] : memref<20096x64xf32, #tpu.memory_space<hbm>> -> memref<20096x64xf32, #tpu.memory_space<hbm>>
        tpu.enqueue_indirect_dma source(%dma_start3A_142 : memref<20096x64xf32, #tpu.memory_space<hbm>>) target(%arg12 : memref<128x64xf32, #tpu.memory_space<vmem>>) offsets(%dma_start3A_139 : memref<128xi32, #tpu.memory_space<vmem>>) semaphore(%arg16 : memref<!tpu.dma_semaphore, #tpu.memory_space<semaphore_mem>>)
      } else {
      }
      %mul3A_118 = arith.constant 4 : i32
      %mul3A_119 = arith.muli %mul3A_118, %scan3A_71 : i32
      %add3A_120 = arith.constant 3 : i32
      %add3A_121 = arith.addi %mul3A_119, %add3A_120 : i32
      %dma_wait3A_122 = arith.constant 0 : i32
      %dma_wait3A_123 = tpu.memref_slice %arg8[%add3A_121, %dma_wait3A_122] : memref<160x128xi32, #tpu.memory_space<vmem>> -> memref<1x128xi32, #tpu.memory_space<vmem>>
      %dma_wait3A_124 = tpu.memref_squeeze %dma_wait3A_123 : memref<1x128xi32, #tpu.memory_space<vmem>> -> memref<128xi32, #tpu.memory_space<vmem>>
      %dma_wait3A_125 = arith.constant 0 : i32
      %dma_wait3A_126 = arith.constant 0 : i32
      %dma_wait3A_127 = tpu.memref_slice %arg3[%dma_wait3A_125, %dma_wait3A_126] : memref<20096x64xf32, #tpu.memory_space<hbm>> -> memref<20096x64xf32, #tpu.memory_space<hbm>>
      tpu.wait_indirect_dma semaphore(%arg17 : memref<!tpu.dma_semaphore, #tpu.memory_space<semaphore_mem>>) src(%dma_wait3A_127 : memref<20096x64xf32, #tpu.memory_space<hbm>>) dst(%arg13 : memref<128x64xf32, #tpu.memory_space<vmem>>)
      "tpu.region"() ({
        %run_scoped3A_135 = tpu.sem_alloc : memref<!tpu.dma_semaphore, #tpu.memory_space<semaphore_mem>>
        %dma_start3A_136 = arith.constant 0 : i32
        %dma_start3A_137 = tpu.memref_slice %arg9[%add3A_121, %dma_start3A_136] : memref<160x128xi32, #tpu.memory_space<vmem>> -> memref<1x128xi32, #tpu.memory_space<vmem>>
        %dma_start3A_138 = tpu.memref_squeeze %dma_start3A_137 : memref<1x128xi32, #tpu.memory_space<vmem>> -> memref<128xi32, #tpu.memory_space<vmem>>
        %dma_start3A_139 = arith.constant 0 : i32
        %dma_start3A_140 = arith.constant 0 : i32
        %dma_start3A_141 = tpu.memref_slice %arg18[%dma_start3A_139, %dma_start3A_140] : memref<10240x64xf32, #tpu.memory_space<vmem_shared>> -> memref<10240x64xf32, #tpu.memory_space<vmem_shared>>
        tpu.enqueue_indirect_dma source(%arg13 : memref<128x64xf32, #tpu.memory_space<vmem>>) target(%dma_start3A_141 : memref<10240x64xf32, #tpu.memory_space<vmem_shared>>) offsets(%dma_start3A_138 : memref<128xi32, #tpu.memory_space<vmem>>) semaphore(%run_scoped3A_135 : memref<!tpu.dma_semaphore, #tpu.memory_space<semaphore_mem>>) {add = true}
        %dma_wait3A_142 = arith.constant 0 : i32
        %dma_wait3A_143 = tpu.memref_slice %arg9[%add3A_121, %dma_wait3A_142] : memref<160x128xi32, #tpu.memory_space<vmem>> -> memref<1x128xi32, #tpu.memory_space<vmem>>
        %dma_wait3A_144 = tpu.memref_squeeze %dma_wait3A_143 : memref<1x128xi32, #tpu.memory_space<vmem>> -> memref<128xi32, #tpu.memory_space<vmem>>
        %dma_wait3A_145 = arith.constant 0 : i32
        %dma_wait3A_146 = arith.constant 0 : i32
        %dma_wait3A_147 = tpu.memref_slice %arg18[%dma_wait3A_145, %dma_wait3A_146] : memref<10240x64xf32, #tpu.memory_space<vmem_shared>> -> memref<10240x64xf32, #tpu.memory_space<vmem_shared>>
        tpu.wait_indirect_dma semaphore(%run_scoped3A_135 : memref<!tpu.dma_semaphore, #tpu.memory_space<semaphore_mem>>) src(%arg13 : memref<128x64xf32, #tpu.memory_space<vmem>>) dst(%dma_wait3A_147 : memref<10240x64xf32, #tpu.memory_space<vmem_shared>>)
        tpu.yield
      }) : () -> ()
      %add3A_128 = arith.constant 4 : i32
      %add3A_129 = arith.addi %add3A_121, %add3A_128 : i32
      %lt3A_130 = arith.constant 160 : i32
      %lt3A_131 = arith.cmpi slt, %add3A_129, %lt3A_130 : i32
      %convert_element_type3A_132 = arith.extui %lt3A_131 : i1 to i32
      %cond3A_133 = arith.constant 0 : i32
      %cond3A_134 = arith.cmpi ne, %convert_element_type3A_132, %cond3A_133 : i32
      scf.if %cond3A_134 {
        %add3A_135 = arith.constant 4 : i32
        %add3A_136 = arith.addi %add3A_121, %add3A_135 : i32
        %dma_start3A_137 = arith.constant 0 : i32
        %dma_start3A_138 = tpu.memref_slice %arg8[%add3A_136, %dma_start3A_137] : memref<160x128xi32, #tpu.memory_space<vmem>> -> memref<1x128xi32, #tpu.memory_space<vmem>>
        %dma_start3A_139 = tpu.memref_squeeze %dma_start3A_138 : memref<1x128xi32, #tpu.memory_space<vmem>> -> memref<128xi32, #tpu.memory_space<vmem>>
        %dma_start3A_140 = arith.constant 0 : i32
        %dma_start3A_141 = arith.constant 0 : i32
        %dma_start3A_142 = tpu.memref_slice %arg3[%dma_start3A_140, %dma_start3A_141] : memref<20096x64xf32, #tpu.memory_space<hbm>> -> memref<20096x64xf32, #tpu.memory_space<hbm>>
        tpu.enqueue_indirect_dma source(%dma_start3A_142 : memref<20096x64xf32, #tpu.memory_space<hbm>>) target(%arg13 : memref<128x64xf32, #tpu.memory_space<vmem>>) offsets(%dma_start3A_139 : memref<128xi32, #tpu.memory_space<vmem>>) semaphore(%arg17 : memref<!tpu.dma_semaphore, #tpu.memory_space<semaphore_mem>>)
      } else {
      }
    }
    %scan3A_68 = arith.constant 40 : i32
    %barrier3A_69 = arith.constant 0 : index
    tpu.barrier barrier_id(%barrier3A_69)
    %run_scoped3A_70 = arith.constant 1 : i32
    "tpu.region"() ({
      %run_scoped3A_71 = tpu.sem_alloc : memref<!tpu.dma_semaphore, #tpu.memory_space<semaphore_mem>>
      %dma_start3A_72 = arith.constant 0 : i32
      %dma_start3A_73 = tpu.memref_slice %arg7[%arg0, %run_scoped3A_70, %mul3A_0, %dma_start3A_72] : memref<2x2x10240x64xf32, #tpu.memory_space<hbm>> -> memref<1x1x640x64xf32, #tpu.memory_space<hbm>>
      %dma_start3A_74 = tpu.memref_squeeze %dma_start3A_73 : memref<1x1x640x64xf32, #tpu.memory_space<hbm>> -> memref<640x64xf32, #tpu.memory_space<hbm>>
      %dma_start3A_75 = arith.constant 0 : i32
      %dma_start3A_76 = tpu.memref_slice %arg18[%mul3A_0, %dma_start3A_75] : memref<10240x64xf32, #tpu.memory_space<vmem_shared>> -> memref<640x64xf32, #tpu.memory_space<vmem_shared>>
      tpu.enqueue_dma source(%dma_start3A_76 : memref<640x64xf32, #tpu.memory_space<vmem_shared>>) target(%dma_start3A_74 : memref<640x64xf32, #tpu.memory_space<hbm>>) target_semaphore(%run_scoped3A_71 : memref<!tpu.dma_semaphore, #tpu.memory_space<semaphore_mem>>)
      %dma_wait3A = arith.constant 0 : i32
      %dma_wait3A_77 = tpu.memref_slice %arg7[%arg0, %run_scoped3A_70, %mul3A_0, %dma_wait3A] : memref<2x2x10240x64xf32, #tpu.memory_space<hbm>> -> memref<1x1x640x64xf32, #tpu.memory_space<hbm>>
      %dma_wait3A_78 = tpu.memref_squeeze %dma_wait3A_77 : memref<1x1x640x64xf32, #tpu.memory_space<hbm>> -> memref<640x64xf32, #tpu.memory_space<hbm>>
      %dma_wait3A_79 = arith.constant 0 : i32
      %dma_wait3A_80 = tpu.memref_slice %arg18[%mul3A_0, %dma_wait3A_79] : memref<10240x64xf32, #tpu.memory_space<vmem_shared>> -> memref<640x64xf32, #tpu.memory_space<vmem_shared>>
      tpu.wait_dma2 semaphore(%run_scoped3A_71 : memref<!tpu.dma_semaphore, #tpu.memory_space<semaphore_mem>>) src(%dma_wait3A_80 : memref<640x64xf32, #tpu.memory_space<vmem_shared>>) dst(%dma_wait3A_78 : memref<640x64xf32, #tpu.memory_space<hbm>>)
      tpu.yield
    }) : () -> ()
    return
  }
}

module attributes {stable_mosaic.version = 14 : i64} {
  func.func @_dense_body(%arg0: i32, %arg1: i32, %arg2: memref<1x1x1000x64xf32, #tpu.memory_space<vmem>>, %arg3: memref<1x1x1000x64xf32, #tpu.memory_space<vmem>>, %arg4: memref<1x1000x128xf32, #tpu.memory_space<vmem>>, %arg5: memref<1x128x128xf32, #tpu.memory_space<vmem>>, %arg6: memref<1x128x128xf32, #tpu.memory_space<vmem>>, %arg7: memref<2x128xf32, #tpu.memory_space<vmem>>, %arg8: memref<2x128xf32, #tpu.memory_space<vmem>>, %arg9: memref<2x128xf32, #tpu.memory_space<vmem>>, %arg10: memref<1x1000x128xf32, #tpu.memory_space<vmem>>) attributes {dimension_semantics = [#tpu.dimension_semantics<arbitrary>, #tpu.dimension_semantics<arbitrary>], iteration_bounds = array<i64: 2, 10>, scalar_prefetch = 0 : i64, scratch_operands = 0 : i64, tpu.core_type = #tpu.core_type<tc>, window_params = [{transform_indices = @transform_0, window_bounds = array<i64: 1, 1, 1000, 64>}, {transform_indices = @transform_1, window_bounds = array<i64: 1, 1, 1000, 64>}, {transform_indices = @transform_2, window_bounds = array<i64: 1, 1000, 128>}, {transform_indices = @transform_3, window_bounds = array<i64: 1, 128, 128>}, {transform_indices = @transform_4, window_bounds = array<i64: 1, 128, 128>}, {pipeline_mode = #tpu.pipeline_mode<synchronous>, transform_indices = @transform_5, window_bounds = array<i64: 2, 128>}, {pipeline_mode = #tpu.pipeline_mode<synchronous>, transform_indices = @transform_6, window_bounds = array<i64: 2, 128>}, {pipeline_mode = #tpu.pipeline_mode<synchronous>, transform_indices = @transform_7, window_bounds = array<i64: 2, 128>}, {transform_indices = @transform_8, window_bounds = array<i64: 1, 1000, 128>}]} {
    %get3A = arith.constant 0 : index
    %get3A_0 = arith.constant 0 : index
    %get3A_1 = arith.constant 0 : index
    %get3A_2 = vector.load %arg5[%get3A, %get3A_0, %get3A_1] : memref<1x128x128xf32, #tpu.memory_space<vmem>>, vector<1x128x128xf32>
    %get3A_3 = vector.shape_cast %get3A_2 : vector<1x128x128xf32> to vector<128x128xf32>
    %get3A_4 = arith.constant 0 : index
    %get3A_5 = arith.constant 0 : index
    %get3A_6 = arith.constant 0 : index
    %get3A_7 = arith.constant 0 : index
    %get3A_8 = vector.load %arg2[%get3A_4, %get3A_5, %get3A_6, %get3A_7] : memref<1x1x1000x64xf32, #tpu.memory_space<vmem>>, vector<1x1x1000x64xf32>
    %get3A_9 = vector.shape_cast %get3A_8 : vector<1x1x1000x64xf32> to vector<1000x64xf32>
    %slice3A = vector.extract_strided_slice %get3A_3 {offsets = [0, 0], sizes = [64, 128], strides = [1, 1]} : vector<128x128xf32> to vector<64x128xf32>
    %dot_general3A = arith.constant dense<0.000000e+00> : vector<1000x128xf32>
    %dot_general3A_10 = tpu.matmul %get3A_9, %slice3A, %dot_general3A {dimension_numbers = #tpu.dot_dimension_numbers<[1], [0], [0], [1], [0, 0, 1, 1], [], []>, precision = #tpu.contract_precision<fp32>, transpose_lhs_hint = false} : vector<1000x64xf32>, vector<64x128xf32>, vector<1000x128xf32> -> vector<1000x128xf32>
    %get3A_11 = arith.constant 0 : index
    %get3A_12 = arith.constant 0 : index
    %get3A_13 = arith.constant 0 : index
    %get3A_14 = arith.constant 0 : index
    %get3A_15 = vector.load %arg3[%get3A_11, %get3A_12, %get3A_13, %get3A_14] : memref<1x1x1000x64xf32, #tpu.memory_space<vmem>>, vector<1x1x1000x64xf32>
    %get3A_16 = vector.shape_cast %get3A_15 : vector<1x1x1000x64xf32> to vector<1000x64xf32>
    %slice3A_17 = vector.extract_strided_slice %get3A_3 {offsets = [64, 0], sizes = [64, 128], strides = [1, 1]} : vector<128x128xf32> to vector<64x128xf32>
    %dot_general3A_18 = arith.constant dense<0.000000e+00> : vector<1000x128xf32>
    %dot_general3A_19 = tpu.matmul %get3A_16, %slice3A_17, %dot_general3A_18 {dimension_numbers = #tpu.dot_dimension_numbers<[1], [0], [0], [1], [0, 0, 1, 1], [], []>, precision = #tpu.contract_precision<fp32>, transpose_lhs_hint = false} : vector<1000x64xf32>, vector<64x128xf32>, vector<1000x128xf32> -> vector<1000x128xf32>
    %add3A = arith.addf %dot_general3A_10, %dot_general3A_19 : vector<1000x128xf32>
    %get3A_20 = arith.constant 0 : index
    %get3A_21 = arith.constant 0 : index
    %get3A_22 = arith.constant 0 : index
    %get3A_23 = vector.load %arg4[%get3A_20, %get3A_21, %get3A_22] : memref<1x1000x128xf32, #tpu.memory_space<vmem>>, vector<1x1000x128xf32>
    %get3A_24 = vector.shape_cast %get3A_23 : vector<1x1000x128xf32> to vector<1000x128xf32>
    %get3A_25 = arith.constant 0 : index
    %get3A_26 = arith.constant 0 : index
    %get3A_27 = arith.constant 0 : index
    %get3A_28 = vector.load %arg6[%get3A_25, %get3A_26, %get3A_27] : memref<1x128x128xf32, #tpu.memory_space<vmem>>, vector<1x128x128xf32>
    %get3A_29 = vector.shape_cast %get3A_28 : vector<1x128x128xf32> to vector<128x128xf32>
    %dot_general3A_30 = arith.constant dense<0.000000e+00> : vector<1000x128xf32>
    %dot_general3A_31 = tpu.matmul %get3A_24, %get3A_29, %dot_general3A_30 {dimension_numbers = #tpu.dot_dimension_numbers<[1], [0], [0], [1], [0, 0, 1, 1], [], []>, precision = #tpu.contract_precision<fp32>, transpose_lhs_hint = false} : vector<1000x128xf32>, vector<128x128xf32>, vector<1000x128xf32> -> vector<1000x128xf32>
    %add3A_32 = arith.addf %add3A, %dot_general3A_31 : vector<1000x128xf32>
    %get3A_33 = arith.index_cast %arg0 : i32 to index
    %get3A_34 = arith.constant 0 : index
    %get3A_35 = vector.load %arg7[%get3A_33, %get3A_34] : memref<2x128xf32, #tpu.memory_space<vmem>>, vector<1x128xf32>
    %get3A_36 = vector.shape_cast %get3A_35 : vector<1x128xf32> to vector<128xf32>
    %broadcast_in_dim3A = vector.shape_cast %get3A_36 : vector<128xf32> to vector<1x128xf32>
    %add3A_37 = vector.broadcast %broadcast_in_dim3A : vector<1x128xf32> to vector<1000x128xf32>
    %add3A_38 = arith.addf %add3A_32, %add3A_37 : vector<1000x128xf32>
    %reduce_sum3A = arith.constant dense<0.000000e+00> : vector<1000xf32>
    %reduce_sum3A_39 = vector.multi_reduction <add>, %add3A_38, %reduce_sum3A [1] : vector<1000x128xf32> to vector<1000xf32>
    %broadcast_in_dim3A_40 = vector.shape_cast %reduce_sum3A_39 : vector<1000xf32> to vector<1000x1xf32>
    %div3A = arith.constant 1.280000e+02 : f32
    %div3A_41 = vector.broadcast %div3A : f32 to vector<1000x1xf32>
    %div3A_42 = arith.divf %broadcast_in_dim3A_40, %div3A_41 : vector<1000x1xf32>
    %sub3A = vector.broadcast %div3A_42 : vector<1000x1xf32> to vector<1000x128xf32>
    %sub3A_43 = arith.subf %add3A_38, %sub3A : vector<1000x128xf32>
    %mul3A = arith.mulf %sub3A_43, %sub3A_43 : vector<1000x128xf32>
    %reduce_sum3A_44 = arith.constant dense<0.000000e+00> : vector<1000xf32>
    %reduce_sum3A_45 = vector.multi_reduction <add>, %mul3A, %reduce_sum3A_44 [1] : vector<1000x128xf32> to vector<1000xf32>
    %broadcast_in_dim3A_46 = vector.shape_cast %reduce_sum3A_45 : vector<1000xf32> to vector<1000x1xf32>
    %div3A_47 = arith.constant 1.280000e+02 : f32
    %div3A_48 = vector.broadcast %div3A_47 : f32 to vector<1000x1xf32>
    %div3A_49 = arith.divf %broadcast_in_dim3A_46, %div3A_48 : vector<1000x1xf32>
    %add3A_50 = arith.constant 9.99999974E-6 : f32
    %add3A_51 = vector.broadcast %add3A_50 : f32 to vector<1000x1xf32>
    %add3A_52 = arith.addf %div3A_49, %add3A_51 : vector<1000x1xf32>
    %rsqrt3A = math.rsqrt %add3A_52 : vector<1000x1xf32>
    %mul3A_53 = vector.broadcast %rsqrt3A : vector<1000x1xf32> to vector<1000x128xf32>
    %mul3A_54 = arith.mulf %sub3A_43, %mul3A_53 : vector<1000x128xf32>
    %get3A_55 = arith.index_cast %arg0 : i32 to index
    %get3A_56 = arith.constant 0 : index
    %get3A_57 = vector.load %arg8[%get3A_55, %get3A_56] : memref<2x128xf32, #tpu.memory_space<vmem>>, vector<1x128xf32>
    %get3A_58 = vector.shape_cast %get3A_57 : vector<1x128xf32> to vector<128xf32>
    %broadcast_in_dim3A_59 = vector.shape_cast %get3A_58 : vector<128xf32> to vector<1x128xf32>
    %mul3A_60 = vector.broadcast %broadcast_in_dim3A_59 : vector<1x128xf32> to vector<1000x128xf32>
    %mul3A_61 = arith.mulf %mul3A_54, %mul3A_60 : vector<1000x128xf32>
    %get3A_62 = arith.index_cast %arg0 : i32 to index
    %get3A_63 = arith.constant 0 : index
    %get3A_64 = vector.load %arg9[%get3A_62, %get3A_63] : memref<2x128xf32, #tpu.memory_space<vmem>>, vector<1x128xf32>
    %get3A_65 = vector.shape_cast %get3A_64 : vector<1x128xf32> to vector<128xf32>
    %broadcast_in_dim3A_66 = vector.shape_cast %get3A_65 : vector<128xf32> to vector<1x128xf32>
    %add3A_67 = vector.broadcast %broadcast_in_dim3A_66 : vector<1x128xf32> to vector<1000x128xf32>
    %add3A_68 = arith.addf %mul3A_61, %add3A_67 : vector<1000x128xf32>
    %max3A = arith.constant 0.000000e+00 : f32
    %max3A_69 = vector.broadcast %max3A : f32 to vector<1000x128xf32>
    %max3A_70 = arith.maximumf %add3A_68, %max3A_69 : vector<1000x128xf32>
    %swap3A = arith.constant 0 : index
    %swap3A_71 = arith.constant 0 : index
    %swap3A_72 = arith.constant 0 : index
    %swap3A_73 = vector.load %arg10[%swap3A, %swap3A_71, %swap3A_72] : memref<1x1000x128xf32, #tpu.memory_space<vmem>>, vector<1x1000x128xf32>
    %swap3A_74 = vector.shape_cast %swap3A_73 : vector<1x1000x128xf32> to vector<1000x128xf32>
    %swap3A_75 = vector.shape_cast %max3A_70 : vector<1000x128xf32> to vector<1x1000x128xf32>
    tpu.vector_store %arg10[%swap3A, %swap3A_71, %swap3A_72], %swap3A_75 {strides = array<i32>} : memref<1x1000x128xf32, #tpu.memory_space<vmem>>, vector<1x1000x128xf32>,
    return
  }
  func.func @transform_0(%arg0: i32, %arg1: i32) -> (i32, i32, i32, i32) {
    %c0_i32 = arith.constant 0 : i32
    %c0_i32_0 = arith.constant 0 : i32
    %c0_i32_1 = arith.constant 0 : i32
    return %arg0, %c0_i32, %arg1, %c0_i32_0 : i32, i32, i32, i32
  }
  func.func @transform_1(%arg0: i32, %arg1: i32) -> (i32, i32, i32, i32) {
    %c1_i32 = arith.constant 1 : i32
    %c0_i32 = arith.constant 0 : i32
    %c0_i32_0 = arith.constant 0 : i32
    return %arg0, %c1_i32, %arg1, %c0_i32 : i32, i32, i32, i32
  }
  func.func @transform_2(%arg0: i32, %arg1: i32) -> (i32, i32, i32) {
    %c0_i32 = arith.constant 0 : i32
    %c0_i32_0 = arith.constant 0 : i32
    return %arg0, %arg1, %c0_i32 : i32, i32, i32
  }
  func.func @transform_3(%arg0: i32, %arg1: i32) -> (i32, i32, i32) {
    %c0_i32 = arith.constant 0 : i32
    %c0_i32_0 = arith.constant 0 : i32
    %c0_i32_1 = arith.constant 0 : i32
    return %arg0, %c0_i32, %c0_i32_0 : i32, i32, i32
  }
  func.func @transform_4(%arg0: i32, %arg1: i32) -> (i32, i32, i32) {
    %c0_i32 = arith.constant 0 : i32
    %c0_i32_0 = arith.constant 0 : i32
    %c0_i32_1 = arith.constant 0 : i32
    return %arg0, %c0_i32, %c0_i32_0 : i32, i32, i32
  }
  func.func @transform_5(%arg0: i32, %arg1: i32) -> (i32, i32) {
    %c0_i32 = arith.constant 0 : i32
    %c0_i32_0 = arith.constant 0 : i32
    %c0_i32_1 = arith.constant 0 : i32
    return %c0_i32, %c0_i32_0 : i32, i32
  }
  func.func @transform_6(%arg0: i32, %arg1: i32) -> (i32, i32) {
    %c0_i32 = arith.constant 0 : i32
    %c0_i32_0 = arith.constant 0 : i32
    %c0_i32_1 = arith.constant 0 : i32
    return %c0_i32, %c0_i32_0 : i32, i32
  }
  func.func @transform_7(%arg0: i32, %arg1: i32) -> (i32, i32) {
    %c0_i32 = arith.constant 0 : i32
    %c0_i32_0 = arith.constant 0 : i32
    %c0_i32_1 = arith.constant 0 : i32
    return %c0_i32, %c0_i32_0 : i32, i32
  }
  func.func @transform_8(%arg0: i32, %arg1: i32) -> (i32, i32, i32) {
    %c0_i32 = arith.constant 0 : i32
    %c0_i32_0 = arith.constant 0 : i32
    return %arg0, %arg1, %c0_i32 : i32, i32, i32
  }
}

</mosaic_0001>

<sc_bundles>
// kernel: kernel.4.cloned.1.call-start
scs
__scs_entry_jumppad:
0x0: {  	(pc) =	sbr.rel $0x88, $3  }
0x1: {  	(tag) =	ssettag $0x0;
	lr =	simm.s32 $0x1  }
0x2: {  	[smem:$0x3F93] =	sst lr;
	_ =	strace $0xD0000000  }
0x3: {  	_ = 	snop  }
0x4: {  	_ = 	snop  }
0x5: {  	_ = 	snop  }
0x6: {  	_ = 	snop  }
0x7: {  	_ = 	snop  }
__scs_overlays_trampoline_lowered:
0x8: {  	[smem:$0x3FA2] =	sst s0  }
0x9: {  	[smem:$0x3FA3] =	sst s1  }
0xa: {  	[smem:$0x3FA4] =	sst s2  }
0xb: {  	[smem:$0x3FA5] =	sst s3  }
0xc: {  	[smem:$0x3FA6] =	sst s4  }
0xd: {  	[smem:$0x3FA7] =	sst s5  }
0xe: {  	[smem:$0x3FA8] =	sst s6  }
0xf: {  	[smem:$0x3FA9] =	sst s7  }
0x10: {  	[smem:$0x3FAA] =	sst s8  }
0x11: {  	[smem:$0x3FAB] =	sst s9;
	s0 =	simm.s32 @!p0 $0x0  }
0x12: {  	s1 =	sld [smem:$0x3F91];
	s0 =	simm.s32 @p0 $0x1  }
0x13: {  	[smem:$0x3FAC] =	sst s0;
	s0 =	simm.s32 @!p1 $0x0  }
0x14: {  	s2 =	sld [smem:$0x3F90];
	s0 =	simm.s32 @p1 $0x1  }
0x15: {  	[smem:$0x3FAD] =	sst s0;
	s0 =	simm.s32 @!p2 $0x0  }
0x16: {  	s3 =	sld [smem:$0x3FDB];
	s0 =	simm.s32 @p2 $0x1  }
0x17: {  	s4 =	simm.s32 $0x1BF5;
	[smem:$0x3FAF] =	sst s0  }
0x18: {  	s0 =	sld [smem:$0x3F92];
	_ =	swait.ge [sflag:s4], $0x0  }
0x19: {  	s7 =	sld [smem:$0x3F93]  }
0x1a: {  	s8 =	sadd.s32 $0xFFFFE003, lr  }
0x1b: {  	s9 =	sadd.s32 $0xFFFFFEF7, lr;
	s5 =	simm.s32 $0xFFFFFFFF;
	p2 =	slt.u32 s8, $0xFFFFF086  }
0x1c: {  	p1 =	slt.u32 s9, $0xF7A;
	s5 =	simm.s32 @!p2 $0x0  }
0x1d: {  	s5 =	simm.s32 @p1 $0x1;
	p0 =	seq.s32 s7, s2  }
0x1e: {  	s7 =	smul.u32 @!p0 $0xF7A, s2;
	p2 =	seq.s32 @!p0 s5, $0x0  }
0x1f: {  	s9 =	smul.u32 $0xF7A, s1;
	s8 =	simm.s32 @!p0 $0x1BF5;
	p2 =	por !p2, p0  }
0x20: {  	[sflag:s8] =	ssyncset.s32 @!p0 $0xFFFFF086;
	s6 =	sadd.s32 @!p0 s3, s7;
	s7 =	simm.s32 @!p0 $0x108  }
0x21: {  	s3 =	sadd.s32 s3, s9;
	s6 =	sadd.s32 @!p0 $0x88, s6;
	s7 =	simm.s32 @p2 $0x1082  }
0x22: {  	[simem:s7], [sflag:s8] =	dma.local @!p0 [hbm:s6], $0xF7A  }
0x23: {  	s9 =	sor.u32 $0xD0000000, s2;
	s6 =	simm.s32 $0x108;
	_ =	swait.ge @!p0 [sflag:s8], $0x0  }
0x24: {  	s3 =	sadd.s32 $0x88, s3;
	s6 =	simm.s32 @!p1 $0x1082;
	[sflag:s4] =	ssyncset.s32 $0xFFFFF086  }
0x25: {  	[simem:s6], [sflag:s4] =	dma.local [hbm:s3], $0xF7A  }
0x26: {  	[smem:$0x3F93] =	sst s1;
	(tag) =	ssettag s2;
	_ =	strace s9  }
0x27: {  	s1 =	sld [smem:$0x3FA3]  }
0x28: {  	s2 =	sld [smem:$0x3FA4]  }
0x29: {  	s4 =	sld [smem:$0x3FA6]  }
0x2a: {  	p0 =	seq.s32 s5, $0x0;
	s5 =	sld [smem:$0x3FA7]  }
0x2b: {  	s6 =	sld [smem:$0x3FA8]  }
0x2c: {  	s7 =	sld [smem:$0x3FA9]  }
0x2d: {  	s3 =	simm.s32 $0x108;
	s8 =	sld [smem:$0x3FAA]  }
0x2e: {  	s3 =	simm.s32 @!p0 $0x1082;
	s9 =	sld [smem:$0x3FAB]  }
0x2f: {  	lr =	sadd.s32 s0, s3;
	s0 =	sld [smem:$0x3FA2]  }
0x30: {  	s3 =	sld [smem:$0x3FA5]  }
0x31: {  	[smem:$0x3FAE] =	sst s10  }
0x32: {  	s10 =	sld [smem:$0x3FAC];
	_ =	sdelay $0x3  }
0x33: {  	p0 =	seq.s32 s10, $0x1;
	s10 =	sld [smem:$0x3FAE];
	_ =	sdelay $0x3  }
0x34: {  	[smem:$0x3FAE] =	sst s10  }
0x35: {  	s10 =	sld [smem:$0x3FAD];
	_ =	sdelay $0x3  }
0x36: {  	p1 =	seq.s32 s10, $0x1;
	s10 =	sld [smem:$0x3FAE];
	_ =	sdelay $0x3  }
0x37: {  	[smem:$0x3FAE] =	sst s10  }
0x38: {  	s10 =	sld [smem:$0x3FAF]  }
0x39: {  	_ = 	snop;
	(pc) =	sbr.ind lr, $3  }
0x3a: {  	_ = 	snop  }
0x3b: {  	_ = 	snop  }
0x3c: {  	p2 =	seq.s32 s10, $0x1;
	s10 =	sld [smem:$0x3FAE]  }
0x3d: {  	_ =	shalt  }
0x3e: {  	_ =	shalt  }
0x3f: {  	_ =	shalt  }
0x40: {  	_ =	shalt  }
0x41: {  	_ =	shalt  }
0x42: {  	_ =	shalt  }
0x43: {  	_ =	shalt  }
0x44: {  	_ =	shalt  }
0x45: {  	_ =	shalt  }
0x46: {  	_ =	shalt  }
0x47: {  	_ =	shalt  }
0x48: {  	_ =	shalt  }
0x49: {  	_ =	shalt  }
0x4a: {  	_ =	shalt  }
0x4b: {  	_ =	shalt  }
0x4c: {  	_ =	shalt  }
0x4d: {  	_ =	shalt  }
0x4e: {  	_ =	shalt  }
0x4f: {  	_ =	shalt  }
0x50: {  	_ =	shalt  }
0x51: {  	_ =	shalt  }
0x52: {  	_ =	shalt  }
0x53: {  	_ =	shalt  }
0x54: {  	_ =	shalt  }
0x55: {  	_ =	shalt  }
0x56: {  	_ =	shalt  }
0x57: {  	_ =	shalt  }
0x58: {  	_ =	shalt  }
0x59: {  	_ =	shalt  }
0x5a: {  	_ =	shalt  }
0x5b: {  	_ =	shalt  }
0x5c: {  	_ =	shalt  }
0x5d: {  	_ =	shalt  }
0x5e: {  	_ =	shalt  }
0x5f: {  	_ =	shalt  }
0x60: {  	_ =	shalt  }
0x61: {  	_ =	shalt  }
0x62: {  	_ =	shalt  }
0x63: {  	_ =	shalt  }
0x64: {  	_ =	shalt  }
0x65: {  	_ =	shalt  }
0x66: {  	_ =	shalt  }
0x67: {  	_ =	shalt  }
0x68: {  	_ =	shalt  }
0x69: {  	_ =	shalt  }
0x6a: {  	_ =	shalt  }
0x6b: {  	_ =	shalt  }
0x6c: {  	_ =	shalt  }
0x6d: {  	_ =	shalt  }
0x6e: {  	_ =	shalt  }
0x6f: {  	_ =	shalt  }
0x70: {  	_ =	shalt  }
0x71: {  	_ =	shalt  }
0x72: {  	_ =	shalt  }
0x73: {  	_ =	shalt  }
0x74: {  	_ =	shalt  }
0x75: {  	_ =	shalt  }
0x76: {  	_ =	shalt  }
0x77: {  	_ =	shalt  }
0x78: {  	_ =	shalt  }
0x79: {  	_ =	shalt  }
0x7a: {  	_ =	shalt  }
0x7b: {  	_ =	shalt  }
0x7c: {  	_ =	shalt  }
0x7d: {  	_ =	shalt  }
0x7e: {  	_ =	shalt  }
0x7f: {  	_ =	shalt  }
0x80: {  	_ =	shalt  }
0x81: {  	_ =	shalt  }
0x82: {  	_ =	shalt  }
0x83: {  	_ =	shalt  }
0x84: {  	_ =	shalt  }
0x85: {  	_ =	shalt  }
0x86: {  	_ =	shalt  }
0x87: {  	_ =	shalt  }
.Lfunc_end0:
.L_simem_size_0:
called_computation_lowered:
.L_overlay_start_0:
0x88: {  	s2 =	sld [smem:$0x3FD9]  }
0x89: {  	s3 =	sld [smem:$0x3FFE];
	_ =	sdelay $0x1  }
0x8a: {  	s1 =	srdreg.scid  }
0x8b: {  	s0 =	sand.u32 $0x1, s1  }
0x8c: {  	s14 =	sshll.u32 s0, $0xA;
	s2 =	sadd.s32 s3, s2  }
0x8d: {  	s2 =	sadd.s32 s2, s14  }
0x8e: {  	[smem:$0x3FBA] =	sst s2  }
0x8f: {  	_ = 	snop  }
0x90: {  	s2 =	sld [smem:$0x3FD0];
	_ =	sdelay $0x2  }
0x91: {  	s15 =	simm.s32 $0xA;
	s4 =	simm.s32 $0x10  }
0x92: {  	[smem:s4], [sflag:s15] =	dma.local [hbm:s2], $0x1  }
0x93: {  	_ =	swait.eq [sflag:s15], $0x1  }
0x94: {  	[sflag:s15] =	ssyncset.done $0x0  }
0x95: {  	s16 =	sld [smem:$0x10];
	[sflag:s15] =	ssyncadd.s32 $0xFFFFFFFF  }
0x96: {  	s17 =	sld [smem:$0x11];
	(tm) =	ssettm $0x1  }
0x97: {  	s18 =	sld [smem:$0x3FFB];
	_ =	sdelay $0x3  }
0x98: {  	_ =	strace s18  }
0x99: {  	s4 =	sld [smem:$0x3FFC];
	_ =	sdelay $0x3  }
0x9a: {  	_ =	strace s4  }
0x9b: {  	s4 =	sld [smem:$0x3FFD];
	_ =	sdelay $0x3  }
0x9c: {  	_ =	strace s4  }
0x9d: {  	_ =	strace $0x8FFFFFFF  }
0x9e: {  	s19 =	sld [smem:$0x3FDB];
	_ =	sdelay $0x1  }
0x9f: {  	s5 =	simm.s32 $_scs_section_size  }
0xa0: {  	s6 =	simm.s32 $_size__tile_overlayer_lowered;
	s7 =	simm.s32 $_tile_overlayer_lowered  }
0xa1: {  	s22 =	simm.s32 $0x1BFF;
	s21 =	sshll.u32 s7, $0x1;
	s4 =	sadd.s32 s5, s19  }
0xa2: {  	s8 =	simm.s32 $0x0;
	s20 =	sshll.u32 s6, $0x1;
	s6 =	sadd.s32 s21, s4  }
0xa3: {  	[timem:s8], [sflag:s22] =	dma.local [hbm:s6], s20  }
0xa4: {  	_ =	swait.ge [sflag:s22], s20  }
0xa5: {  	s5 =	ssub.s32 $0x0, s20;
	[sflag:s22] =	ssyncset.done $0x0  }
0xa6: {  	[sflag:s22] =	ssyncadd.s32 s5;
	_ =	sdelay $0x1  }
0xa7: {  	s23 =	simm.s32 $0x1B8B  }
0xa8: {  	_ =	swait.ge [sflag:s23], $0x1  }
0xa9: {  	[sflag:s23] =	ssyncset.done $0x0  }
0xaa: {  	s25 =	simm.s32 $0x1B8E;
	s24 =	sld [smem:$0x3FFE];
	[sflag:s23] =	ssyncadd.s32 $0xFFFFFFFF  }
0xab: {  	s26 =	simm.s32 $execute0_lowered;
	[smem:$0x3FD2] =	sst s25  }
0xac: {  	s6 =	sshll.u32 s26, $0x1;
	_ =	strace $0x80000046;
	[dreg:$0x1] =	wrdreg $0xFFFFFFFF  }
0xad: {  	s28 =	simm.s32 $_size_execute0_lowered;
	s4 =	sadd.s32 s4, s6;
	[dreg:$0x0] =	wrdreg $0x0  }
0xae: {  	s6 =	sshll.u32 s28, $0x1;
	[dreg:$0x2] =	wrdreg s4  }
0xaf: {  	[dreg:$0x3] =	wrdreg s6  }
0xb0: {  	[dreg:$0x4] =	wrdreg $0xC0  }
0xb1: {  	_ =	task [dreg:s8], $0x5FFFF  }
0xb2: {  	[dreg:$0x1] =	wrdreg $0xFFFFFFFF  }
0xb3: {  	[dreg:$0x0] =	wrdreg $0x60  }
0xb4: {  	[dreg:$0x2] =	wrdreg s24  }
0xb5: {  	[dreg:$0x3] =	wrdreg s16  }
0xb6: {  	[dreg:$0x4] =	wrdreg s17  }
0xb7: {  	[dreg:$0x5] =	wrdreg $0x120000  }
0xb8: {  	[dreg:$0x6] =	wrdreg $0x9  }
0xb9: {  	_ =	task.clear_ibuf [dreg:s8], $0x7FFFF;
	_ =	strace $0x90000046  }
0xba: {  	s29 =	simm.s32 $0x9;
	_ =	strace $0x80000048  }
0xbb: {  	_ =	swait.ge [sflag:s29], $0x1  }
0xbc: {  	[sflag:s29] =	ssyncadd.s32 $0xFFFFFFFF  }
0xbd: {  	_ =	strace $0x90000048  }
0xbe: {  	_ =	sfence  }
0xbf: {  	s30 =	sld [smem:$0x0];
	_ =	sdelay $0x2  }
0xc0: {  	s31 =	sshll.u32 s1, $0xD;
	s1 =	sshrl.u32 s1, $0x2  }
0xc1: {  	s3 =	sand.u32 $0x4000, s31;
	s1 =	sadd.s32 s1, s30  }
0xc2: {  	s0 =	sor.u32 s3, s0;
	s1 =	sshll.u32 s1, $0x11  }
0xc3: {  	s0 =	sor.u32 s1, s0  }
0xc4: {  	s0 =	sadd.s32 $0x8F2B, s0  }
0xc5: {  	[sflag:s0] =	ssyncadd.remote.s32 $0x1  }
0xc6: {  	_ =	sfence.sel $0xFFFF  }
0xc7: {  	[dreg:$0x0] =	wrdreg $0xFFFFFFFF;
	(pc) =	sbr.abs _section_cstart, $3  }
0xc8: {  	[dreg:$0x1] =	wrdreg $0xFFFFFFFF  }
0xc9: {  	_ =	task.clear_ibuf [dreg:s8], $0x2FFFF;
	_ =	strace $0x9FFFFFFF  }
0xca: {  	(tm) =	ssettm $0x7FFFFFFF  }
0xcb: {  	_ =	shalt  }
tec
execute0_lowered:
.L_overlay_start_1:
0x0: {  	(tag) =	ssettag $0x1  }
0x1: {  	s0 =	rddreg [dreg:$0x0]  }
0x2: {  	s1 =	rddreg [dreg:$0x1]  }
0x3: {  	s8 =	rddreg [dreg:$0x2]  }
0x4: {  	s2 =	rddreg [dreg:$0x3]  }
0x5: {  	s4 =	srdreg.scid;
	s14 =	stileid.u32;
	s3 =	simm.s32 $0x0  }
0x6: {  	s16 =	simm.s32 $0x80;
	s17 =	simm.s32 $0xA000;
	s18 =	simm.s32 $0xC000  }
0x7: {  	s19 =	simm.s32 $0x100;
	s20 =	simm.s32 $0xE000;
	s21 =	simm.s32 $0x180  }
0x8: {  	s22 =	simm.s32 $0x10000;
	s28 =	simm.s32 $0x9E00;
	s29 =	simm.s32 $0x9E80  }
0x9: {  	s30 =	simm.s32 $0x9F00;
	s31 =	simm.s32 $0x9F80;
	s7 =	sand.u32 $0x1, s4  }
0xa: {  	s9 =	smul.u32 $0xA000, s14;
	[smem:$0x7FF] =	sst s3;
	s4 =	sadd.s32 $0x2A200, s0  }
0xb: {  	s5 =	sadd.s32 $0x2E00, s0;
	s12 =	smul.u32 $0x5000, s14;
	s6 =	sadd.s32 $0x51600, s0  }
0xc: {  	s26 =	sshll.u32 s14, $0x6;
	s10 =	smul.u32 $0x140000, s7;
	_ =	strace $0x80000047  }
0xd: {  	s11 =	smul.u32 $0x50000, s7;
	s7 =	ssub.s32 $0x2, s7;
	s14 =	sor.u32 $0x1C05, s26  }
0xe: {  	s26 =	simm.s32 $0x4;
	s13 =	sshrl.u32 s7, $0x1;
	s25 =	sadd.s32 s9, s2  }
0xf: {  	s10 =	sadd.s32 s9, s10;
	s11 =	sadd.s32 s12, s11;
	s23 =	ssub.s32 s7, s13  }
0x10: {  	s12 =	simm.s32 $0x5;
	s15 =	sshrl.u32 s25, $0x3;
	s25 =	simm.s32 $0x3  }
0x11: {  	s10 =	sshrl.u32 s10, $0x3;
	s24 =	sshrl.u32 s11, $0x3;
	s11 =	smax.u32 s23, $0x1  }
0x12: {  	s23 =	simm.s32 $0x1;
	s0 =	sadd.s32 s10, s0;
	s1 =	sadd.s32 s1, s24  }
0x13: {  	s8 =	sadd.s32 s8, s24;
	s24 =	simm.s32 $0x2;
	[dreg:$0x5] =	wrdreg s1  }
0x14: {  	s9 =	sadd.s32 $0x52A00, s0;
	s10 =	sadd.s32 $0x66A00, s0;
	s0 =	simm.s32 $0x0  }
.LBB2_1:
0x15: {  	s1 =	rddreg [dreg:$0x5]  }
0x16: {  	[tilespmem:s3], [sflag:$0x5] =	stream.linear.gather [hbm4b:s1+s3], $0x5000, $0x38;
	[tilespmem:$0x1C000] =	vst v63  }
0x17: {  	_ =	swait.ge [sflag:s12], $0x5000  }
0x18: {  	[sflag:s12] =	ssyncset.done $0x0  }
0x19: {  	s7 =	simm.s32 $0x5000;
	[sflag:s12] =	ssyncadd.s32 $0xFFFFB000  }
0x1a: {  	[tilespmem:s7], [sflag:$0x5] =	stream.linear.gather [hbm4b:s8+s3], $0x5000, $0x38;
	[tilespmem:$0x1C000] =	vst v63  }
0x1b: {  	_ =	swait.ge [sflag:s12], $0x5000  }
0x1c: {  	[sflag:s12] =	ssyncset.done $0x0  }
0x1d: {  	[sflag:s12] =	ssyncadd.s32 $0xFFFFB000  }
0x1e: {  	[spmem:s15], [sflag:s14] =	dma.local [hbm:s6], $0x1400  }
0x1f: {  	_ =	swait.ge [sflag:s12], $0x1400  }
0x20: {  	[sflag:s12] =	ssyncset.done $0x0  }
0x21: {  	[sflag:s12] =	ssyncadd.s32 $0xFFFFEC00  }
0x22: {  	[bflag:$0x0] =	sbarrier.arrive $0xFFFF  }
0x23: {  	[tilespmem:s17], [sflag:$0x1] =	stream.indirect.gather [hbm4b:s4+s16], $0x40, s3, s16, $0xb8;
	[tilespmem:$0x1C000] =	vst v63  }
0x24: {  	_ = 	snop  }
0x25: {  	[tilespmem:s18], [sflag:$0x2] =	stream.indirect.gather [hbm4b:s4+s16], $0x40, s16, s16, $0xb8;
	[tilespmem:$0x1C000] =	vst v63  }
0x26: {  	_ = 	snop  }
0x27: {  	[tilespmem:s20], [sflag:$0x3] =	stream.indirect.gather [hbm4b:s4+s16], $0x40, s19, s16, $0xb8;
	[tilespmem:$0x1C000] =	vst v63  }
0x28: {  	_ = 	snop  }
0x29: {  	[tilespmem:s22], [sflag:$0x4] =	stream.indirect.gather [hbm4b:s4+s16], $0x40, s21, s16, $0xb8;
	[tilespmem:$0x1C000] =	vst v63  }
0x2a: {  	_ =	swait.ge [sflag:s23], $0x2000  }
0x2b: {  	[sflag:s23] =	ssyncset.done $0x0  }
0x2c: {  	s13 =	simm.s32 $0x5000;
	[sflag:s23] =	ssyncadd.s32 $0xFFFFE000  }
0x2d: {  	[spmem:s2] =	stream.indirect.scatter.add.f32 [tilespmem:s17], [sflag:$0x5], $0x40, s13, s16, $0xb8;
	[tilespmem:$0x1C000] =	vst v63  }
0x2e: {  	_ =	swait.ge [sflag:s12], $0x2000  }
0x2f: {  	[sflag:s12] =	ssyncset.done $0x0  }
0x30: {  	s7 =	simm.s32 $0x200;
	[sflag:s12] =	ssyncadd.s32 $0xFFFFE000  }
0x31: {  	[tilespmem:s17], [sflag:$0x1] =	stream.indirect.gather [hbm4b:s4+s16], $0x40, s7, s16, $0xb8;
	[tilespmem:$0x1C000] =	vst v63  }
0x32: {  	_ =	swait.ge [sflag:s24], $0x2000  }
0x33: {  	[sflag:s24] =	ssyncset.done $0x0  }
0x34: {  	s13 =	simm.s32 $0x5080;
	[sflag:s24] =	ssyncadd.s32 $0xFFFFE000  }
0x35: {  	[spmem:s2] =	stream.indirect.scatter.add.f32 [tilespmem:s18], [sflag:$0x5], $0x40, s13, s16, $0xb8;
	[tilespmem:$0x1C000] =	vst v63  }
0x36: {  	_ =	swait.ge [sflag:s12], $0x2000  }
0x37: {  	[sflag:s12] =	ssyncset.done $0x0  }
0x38: {  	s7 =	simm.s32 $0x280;
	[sflag:s12] =	ssyncadd.s32 $0xFFFFE000  }
0x39: {  	[tilespmem:s18], [sflag:$0x2] =	stream.indirect.gather [hbm4b:s4+s16], $0x40, s7, s16, $0xb8;
	[tilespmem:$0x1C000] =	vst v63  }
0x3a: {  	_ =	swait.ge [sflag:s25], $0x2000  }
0x3b: {  	[sflag:s25] =	ssyncset.done $0x0  }
0x3c: {  	s13 =	simm.s32 $0x5100;
	[sflag:s25] =	ssyncadd.s32 $0xFFFFE000  }
0x3d: {  	[spmem:s2] =	stream.indirect.scatter.add.f32 [tilespmem:s20], [sflag:$0x5], $0x40, s13, s16, $0xb8;
	[tilespmem:$0x1C000] =	vst v63  }
0x3e: {  	_ =	swait.ge [sflag:s12], $0x2000  }
0x3f: {  	[sflag:s12] =	ssyncset.done $0x0  }
0x40: {  	s7 =	simm.s32 $0x300;
	[sflag:s12] =	ssyncadd.s32 $0xFFFFE000  }
0x41: {  	[tilespmem:s20], [sflag:$0x3] =	stream.indirect.gather [hbm4b:s4+s16], $0x40, s7, s16, $0xb8;
	[tilespmem:$0x1C000] =	vst v63  }
0x42: {  	_ =	swait.ge [sflag:s26], $0x2000  }
0x43: {  	[sflag:s26] =	ssyncset.done $0x0  }
0x44: {  	s13 =	simm.s32 $0x5180;
	[sflag:s26] =	ssyncadd.s32 $0xFFFFE000  }
0x45: {  	[spmem:s2] =	stream.indirect.scatter.add.f32 [tilespmem:s22], [sflag:$0x5], $0x40, s13, s16, $0xb8;
	[tilespmem:$0x1C000] =	vst v63  }
0x46: {  	_ =	swait.ge [sflag:s12], $0x2000  }
0x47: {  	[sflag:s12] =	ssyncset.done $0x0  }
0x48: {  	s1 =	simm.s32 $0x800;
	s13 =	simm.s32 $0x380;
	[sflag:s12] =	ssyncadd.s32 $0xFFFFE000  }
.LBB2_2:
0x49: {  	[tilespmem:s22], [sflag:$0x4] =	stream.indirect.gather [hbm4b:s4+s16], $0x40, s13, s16, $0xb8;
	[tilespmem:$0x1C000] =	vst v63  }
0x4a: {  	s13 =	smov.u32 s1  }
0x4b: {  	p0 =	sne.s32 s1, $0x13000;
	s1 =	sadd.s32 $0x800, s1;
	_ =	swait.ge [sflag:s23], $0x2000  }
0x4c: {  	s13 =	sshra.s32 s13, $0x2;
	[sflag:s23] =	ssyncset.done $0x0  }
0x4d: {  	s7 =	sadd.s32 $0x5000, s13;
	[sflag:s23] =	ssyncadd.s32 $0xFFFFE000  }
0x4e: {  	[spmem:s2] =	stream.indirect.scatter.add.f32 [tilespmem:s17], [sflag:$0x5], $0x40, s7, s16, $0xb8;
	[tilespmem:$0x1C000] =	vst v63  }
0x4f: {  	_ =	swait.ge [sflag:s12], $0x2000  }
0x50: {  	[sflag:s12] =	ssyncset.done $0x0  }
0x51: {  	s7 =	sadd.s32 $0x200, s13;
	[sflag:s12] =	ssyncadd.s32 $0xFFFFE000  }
0x52: {  	[tilespmem:s17], [sflag:$0x1] =	stream.indirect.gather [hbm4b:s4+s16], $0x40, s7, s16, $0xb8;
	[tilespmem:$0x1C000] =	vst v63  }
0x53: {  	_ =	swait.ge [sflag:s24], $0x2000  }
0x54: {  	[sflag:s24] =	ssyncset.done $0x0  }
0x55: {  	s7 =	sadd.s32 $0x5080, s13;
	[sflag:s24] =	ssyncadd.s32 $0xFFFFE000  }
0x56: {  	[spmem:s2] =	stream.indirect.scatter.add.f32 [tilespmem:s18], [sflag:$0x5], $0x40, s7, s16, $0xb8;
	[tilespmem:$0x1C000] =	vst v63  }
0x57: {  	_ =	swait.ge [sflag:s12], $0x2000  }
0x58: {  	[sflag:s12] =	ssyncset.done $0x0  }
0x59: {  	s7 =	sadd.s32 $0x280, s13;
	[sflag:s12] =	ssyncadd.s32 $0xFFFFE000  }
0x5a: {  	[tilespmem:s18], [sflag:$0x2] =	stream.indirect.gather [hbm4b:s4+s16], $0x40, s7, s16, $0xb8;
	[tilespmem:$0x1C000] =	vst v63  }
0x5b: {  	_ =	swait.ge [sflag:s25], $0x2000  }
0x5c: {  	[sflag:s25] =	ssyncset.done $0x0  }
0x5d: {  	s7 =	sadd.s32 $0x5100, s13;
	[sflag:s25] =	ssyncadd.s32 $0xFFFFE000  }
0x5e: {  	[spmem:s2] =	stream.indirect.scatter.add.f32 [tilespmem:s20], [sflag:$0x5], $0x40, s7, s16, $0xb8;
	[tilespmem:$0x1C000] =	vst v63  }
0x5f: {  	_ =	swait.ge [sflag:s12], $0x2000  }
0x60: {  	[sflag:s12] =	ssyncset.done $0x0  }
0x61: {  	s7 =	sadd.s32 $0x300, s13;
	[sflag:s12] =	ssyncadd.s32 $0xFFFFE000  }
0x62: {  	[tilespmem:s20], [sflag:$0x3] =	stream.indirect.gather [hbm4b:s4+s16], $0x40, s7, s16, $0xb8;
	[tilespmem:$0x1C000] =	vst v63  }
0x63: {  	_ =	swait.ge [sflag:s26], $0x2000  }
0x64: {  	[sflag:s26] =	ssyncset.done $0x0  }
.Ltmp0:
0x65: {  	s7 =	sadd.s32 $0x5180, s13;
	[sflag:s26] =	ssyncadd.s32 $0xFFFFE000;
	(pc) =	sbr.rel @p0 .LBB2_2-.Ltmp0, $4  }
0x66: {  	[spmem:s2] =	stream.indirect.scatter.add.f32 [tilespmem:s22], [sflag:$0x5], $0x40, s7, s16, $0xb8;
	[tilespmem:$0x1C000] =	vst v63  }
0x67: {  	_ =	swait.ge [sflag:s12], $0x2000  }
0x68: {  	[sflag:s12] =	ssyncset.done $0x0  }
0x69: {  	s13 =	sadd.s32 $0x380, s13;
	[sflag:s12] =	ssyncadd.s32 $0xFFFFE000  }
0x6a: {  	[tilespmem:s22], [sflag:$0x4] =	stream.indirect.gather [hbm4b:s4+s16], $0x40, s13, s16, $0xb8;
	[tilespmem:$0x1C000] =	vst v63  }
0x6b: {  	_ =	swait.ge [sflag:s23], $0x2000  }
0x6c: {  	[sflag:s23] =	ssyncset.done $0x0  }
0x6d: {  	[sflag:s23] =	ssyncadd.s32 $0xFFFFE000  }
0x6e: {  	[spmem:s2] =	stream.indirect.scatter.add.f32 [tilespmem:s17], [sflag:$0x5], $0x40, s28, s16, $0xb8;
	[tilespmem:$0x1C000] =	vst v63  }
0x6f: {  	_ =	swait.ge [sflag:s12], $0x2000  }
0x70: {  	[sflag:s12] =	ssyncset.done $0x0  }
0x71: {  	[sflag:s12] =	ssyncadd.s32 $0xFFFFE000  }
0x72: {  	_ =	swait.ge [sflag:s24], $0x2000  }
0x73: {  	[sflag:s24] =	ssyncset.done $0x0  }
0x74: {  	[sflag:s24] =	ssyncadd.s32 $0xFFFFE000  }
0x75: {  	[spmem:s2] =	stream.indirect.scatter.add.f32 [tilespmem:s18], [sflag:$0x5], $0x40, s29, s16, $0xb8;
	[tilespmem:$0x1C000] =	vst v63  }
0x76: {  	_ =	swait.ge [sflag:s12], $0x2000  }
0x77: {  	[sflag:s12] =	ssyncset.done $0x0  }
0x78: {  	[sflag:s12] =	ssyncadd.s32 $0xFFFFE000  }
0x79: {  	_ =	swait.ge [sflag:s25], $0x2000  }
0x7a: {  	[sflag:s25] =	ssyncset.done $0x0  }
0x7b: {  	[sflag:s25] =	ssyncadd.s32 $0xFFFFE000  }
0x7c: {  	[spmem:s2] =	stream.indirect.scatter.add.f32 [tilespmem:s20], [sflag:$0x5], $0x40, s30, s16, $0xb8;
	[tilespmem:$0x1C000] =	vst v63  }
0x7d: {  	_ =	swait.ge [sflag:s12], $0x2000  }
0x7e: {  	[sflag:s12] =	ssyncset.done $0x0  }
0x7f: {  	[sflag:s12] =	ssyncadd.s32 $0xFFFFE000  }
0x80: {  	_ =	swait.ge [sflag:s26], $0x2000  }
0x81: {  	[sflag:s26] =	ssyncset.done $0x0  }
0x82: {  	[sflag:s26] =	ssyncadd.s32 $0xFFFFE000  }
0x83: {  	[spmem:s2] =	stream.indirect.scatter.add.f32 [tilespmem:s22], [sflag:$0x5], $0x40, s31, s16, $0xb8;
	[tilespmem:$0x1C000] =	vst v63  }
0x84: {  	_ =	swait.ge [sflag:s12], $0x2000  }
0x85: {  	[sflag:s12] =	ssyncset.done $0x0  }
0x86: {  	[sflag:s12] =	ssyncadd.s32 $0xFFFFE000  }
0x87: {  	[bflag:$0x0] =	sbarrier.arrive $0xFFFF  }
0x88: {  	[hbm:s9], [sflag:s14] =	dma.local [spmem:s15], $0x1400  }
0x89: {  	_ =	swait.ge [sflag:s12], $0x1400  }
0x8a: {  	[sflag:s12] =	ssyncset.done $0x0  }
0x8b: {  	[sflag:s12] =	ssyncadd.s32 $0xFFFFEC00  }
0x8c: {  	[spmem:s15], [sflag:s14] =	dma.local [hbm:s6], $0x1400  }
0x8d: {  	_ =	swait.ge [sflag:s12], $0x1400  }
0x8e: {  	[sflag:s12] =	ssyncset.done $0x0  }
0x8f: {  	[sflag:s12] =	ssyncadd.s32 $0xFFFFEC00  }
0x90: {  	s1 =	simm.s32 $0x0;
	[bflag:$0x0] =	sbarrier.arrive $0xFFFF  }
0x91: {  	[tilespmem:s17], [sflag:$0x1] =	stream.indirect.gather [hbm4b:s5+s16], $0x40, s1, s16, $0xb8;
	[tilespmem:$0x1C000] =	vst v63  }
0x92: {  	_ = 	snop  }
0x93: {  	[tilespmem:s18], [sflag:$0x2] =	stream.indirect.gather [hbm4b:s5+s16], $0x40, s16, s16, $0xb8;
	[tilespmem:$0x1C000] =	vst v63  }
0x94: {  	_ = 	snop  }
0x95: {  	[tilespmem:s20], [sflag:$0x3] =	stream.indirect.gather [hbm4b:s5+s16], $0x40, s19, s16, $0xb8;
	[tilespmem:$0x1C000] =	vst v63  }
0x96: {  	_ = 	snop  }
0x97: {  	[tilespmem:s22], [sflag:$0x4] =	stream.indirect.gather [hbm4b:s5+s16], $0x40, s21, s16, $0xb8;
	[tilespmem:$0x1C000] =	vst v63  }
0x98: {  	_ =	swait.ge [sflag:s23], $0x2000  }
0x99: {  	[sflag:s23] =	ssyncset.done $0x0  }
0x9a: {  	s13 =	simm.s32 $0x5000;
	[sflag:s23] =	ssyncadd.s32 $0xFFFFE000  }
0x9b: {  	[spmem:s2] =	stream.indirect.scatter.add.f32 [tilespmem:s17], [sflag:$0x5], $0x40, s13, s16, $0xb8;
	[tilespmem:$0x1C000] =	vst v63  }
0x9c: {  	_ =	swait.ge [sflag:s12], $0x2000  }
0x9d: {  	[sflag:s12] =	ssyncset.done $0x0  }
0x9e: {  	s7 =	simm.s32 $0x200;
	[sflag:s12] =	ssyncadd.s32 $0xFFFFE000  }
0x9f: {  	[tilespmem:s17], [sflag:$0x1] =	stream.indirect.gather [hbm4b:s5+s16], $0x40, s7, s16, $0xb8;
	[tilespmem:$0x1C000] =	vst v63  }
0xa0: {  	_ =	swait.ge [sflag:s24], $0x2000  }
0xa1: {  	[sflag:s24] =	ssyncset.done $0x0  }
0xa2: {  	s13 =	simm.s32 $0x5080;
	[sflag:s24] =	ssyncadd.s32 $0xFFFFE000  }
0xa3: {  	[spmem:s2] =	stream.indirect.scatter.add.f32 [tilespmem:s18], [sflag:$0x5], $0x40, s13, s16, $0xb8;
	[tilespmem:$0x1C000] =	vst v63  }
0xa4: {  	_ =	swait.ge [sflag:s12], $0x2000  }
0xa5: {  	[sflag:s12] =	ssyncset.done $0x0  }
0xa6: {  	s7 =	simm.s32 $0x280;
	[sflag:s12] =	ssyncadd.s32 $0xFFFFE000  }
0xa7: {  	[tilespmem:s18], [sflag:$0x2] =	stream.indirect.gather [hbm4b:s5+s16], $0x40, s7, s16, $0xb8;
	[tilespmem:$0x1C000] =	vst v63  }
0xa8: {  	_ =	swait.ge [sflag:s25], $0x2000  }
0xa9: {  	[sflag:s25] =	ssyncset.done $0x0  }
0xaa: {  	s13 =	simm.s32 $0x5100;
	[sflag:s25] =	ssyncadd.s32 $0xFFFFE000  }
0xab: {  	[spmem:s2] =	stream.indirect.scatter.add.f32 [tilespmem:s20], [sflag:$0x5], $0x40, s13, s16, $0xb8;
	[tilespmem:$0x1C000] =	vst v63  }
0xac: {  	_ =	swait.ge [sflag:s12], $0x2000  }
0xad: {  	[sflag:s12] =	ssyncset.done $0x0  }
0xae: {  	s7 =	simm.s32 $0x300;
	[sflag:s12] =	ssyncadd.s32 $0xFFFFE000  }
0xaf: {  	[tilespmem:s20], [sflag:$0x3] =	stream.indirect.gather [hbm4b:s5+s16], $0x40, s7, s16, $0xb8;
	[tilespmem:$0x1C000] =	vst v63  }
0xb0: {  	_ =	swait.ge [sflag:s26], $0x2000  }
0xb1: {  	[sflag:s26] =	ssyncset.done $0x0  }
0xb2: {  	s13 =	simm.s32 $0x5180;
	[sflag:s26] =	ssyncadd.s32 $0xFFFFE000  }
0xb3: {  	[spmem:s2] =	stream.indirect.scatter.add.f32 [tilespmem:s22], [sflag:$0x5], $0x40, s13, s16, $0xb8;
	[tilespmem:$0x1C000] =	vst v63  }
0xb4: {  	_ =	swait.ge [sflag:s12], $0x2000  }
0xb5: {  	[sflag:s12] =	ssyncset.done $0x0  }
0xb6: {  	s1 =	simm.s32 $0x800;
	s13 =	simm.s32 $0x380;
	[sflag:s12] =	ssyncadd.s32 $0xFFFFE000  }
.LBB2_4:
0xb7: {  	[tilespmem:s22], [sflag:$0x4] =	stream.indirect.gather [hbm4b:s5+s16], $0x40, s13, s16, $0xb8;
	[tilespmem:$0x1C000] =	vst v63  }
0xb8: {  	s7 =	smov.u32 s1  }
0xb9: {  	p0 =	sne.s32 s1, $0x13000;
	s1 =	sadd.s32 $0x800, s1;
	_ =	swait.ge [sflag:s23], $0x2000  }
0xba: {  	s13 =	sshra.s32 s7, $0x2;
	[sflag:s23] =	ssyncset.done $0x0  }
0xbb: {  	s7 =	sadd.s32 $0x5000, s13;
	[sflag:s23] =	ssyncadd.s32 $0xFFFFE000  }
0xbc: {  	[spmem:s2] =	stream.indirect.scatter.add.f32 [tilespmem:s17], [sflag:$0x5], $0x40, s7, s16, $0xb8;
	[tilespmem:$0x1C000] =	vst v63  }
0xbd: {  	_ =	swait.ge [sflag:s12], $0x2000  }
0xbe: {  	[sflag:s12] =	ssyncset.done $0x0  }
0xbf: {  	s7 =	sadd.s32 $0x200, s13;
	[sflag:s12] =	ssyncadd.s32 $0xFFFFE000  }
0xc0: {  	[tilespmem:s17], [sflag:$0x1] =	stream.indirect.gather [hbm4b:s5+s16], $0x40, s7, s16, $0xb8;
	[tilespmem:$0x1C000] =	vst v63  }
0xc1: {  	_ =	swait.ge [sflag:s24], $0x2000  }
0xc2: {  	[sflag:s24] =	ssyncset.done $0x0  }
0xc3: {  	s7 =	sadd.s32 $0x5080, s13;
	[sflag:s24] =	ssyncadd.s32 $0xFFFFE000  }
0xc4: {  	[spmem:s2] =	stream.indirect.scatter.add.f32 [tilespmem:s18], [sflag:$0x5], $0x40, s7, s16, $0xb8;
	[tilespmem:$0x1C000] =	vst v63  }
0xc5: {  	_ =	swait.ge [sflag:s12], $0x2000  }
0xc6: {  	[sflag:s12] =	ssyncset.done $0x0  }
0xc7: {  	s7 =	sadd.s32 $0x280, s13;
	[sflag:s12] =	ssyncadd.s32 $0xFFFFE000  }
0xc8: {  	[tilespmem:s18], [sflag:$0x2] =	stream.indirect.gather [hbm4b:s5+s16], $0x40, s7, s16, $0xb8;
	[tilespmem:$0x1C000] =	vst v63  }
0xc9: {  	_ =	swait.ge [sflag:s25], $0x2000  }
0xca: {  	[sflag:s25] =	ssyncset.done $0x0  }
0xcb: {  	s7 =	sadd.s32 $0x5100, s13;
	[sflag:s25] =	ssyncadd.s32 $0xFFFFE000  }
0xcc: {  	[spmem:s2] =	stream.indirect.scatter.add.f32 [tilespmem:s20], [sflag:$0x5], $0x40, s7, s16, $0xb8;
	[tilespmem:$0x1C000] =	vst v63  }
0xcd: {  	_ =	swait.ge [sflag:s12], $0x2000  }
0xce: {  	[sflag:s12] =	ssyncset.done $0x0  }
0xcf: {  	s7 =	sadd.s32 $0x300, s13;
	[sflag:s12] =	ssyncadd.s32 $0xFFFFE000  }
0xd0: {  	[tilespmem:s20], [sflag:$0x3] =	stream.indirect.gather [hbm4b:s5+s16], $0x40, s7, s16, $0xb8;
	[tilespmem:$0x1C000] =	vst v63  }
0xd1: {  	_ =	swait.ge [sflag:s26], $0x2000  }
0xd2: {  	[sflag:s26] =	ssyncset.done $0x0  }
.Ltmp1:
0xd3: {  	s7 =	sadd.s32 $0x5180, s13;
	[sflag:s26] =	ssyncadd.s32 $0xFFFFE000;
	(pc) =	sbr.rel @p0 .LBB2_4-.Ltmp1, $4  }
0xd4: {  	[spmem:s2] =	stream.indirect.scatter.add.f32 [tilespmem:s22], [sflag:$0x5], $0x40, s7, s16, $0xb8;
	[tilespmem:$0x1C000] =	vst v63  }
0xd5: {  	_ =	swait.ge [sflag:s12], $0x2000  }
0xd6: {  	[sflag:s12] =	ssyncset.done $0x0  }
0xd7: {  	s13 =	sadd.s32 $0x380, s13;
	[sflag:s12] =	ssyncadd.s32 $0xFFFFE000  }
0xd8: {  	[tilespmem:s22], [sflag:$0x4] =	stream.indirect.gather [hbm4b:s5+s16], $0x40, s13, s16, $0xb8;
	[tilespmem:$0x1C000] =	vst v63  }
0xd9: {  	_ =	swait.ge [sflag:s23], $0x2000  }
0xda: {  	[sflag:s23] =	ssyncset.done $0x0  }
0xdb: {  	[sflag:s23] =	ssyncadd.s32 $0xFFFFE000  }
0xdc: {  	[spmem:s2] =	stream.indirect.scatter.add.f32 [tilespmem:s17], [sflag:$0x5], $0x40, s28, s16, $0xb8;
	[tilespmem:$0x1C000] =	vst v63  }
0xdd: {  	_ =	swait.ge [sflag:s12], $0x2000  }
0xde: {  	[sflag:s12] =	ssyncset.done $0x0  }
0xdf: {  	[sflag:s12] =	ssyncadd.s32 $0xFFFFE000  }
0xe0: {  	_ =	swait.ge [sflag:s24], $0x2000  }
0xe1: {  	[sflag:s24] =	ssyncset.done $0x0  }
0xe2: {  	[sflag:s24] =	ssyncadd.s32 $0xFFFFE000  }
0xe3: {  	[spmem:s2] =	stream.indirect.scatter.add.f32 [tilespmem:s18], [sflag:$0x5], $0x40, s29, s16, $0xb8;
	[tilespmem:$0x1C000] =	vst v63  }
0xe4: {  	_ =	swait.ge [sflag:s12], $0x2000  }
0xe5: {  	[sflag:s12] =	ssyncset.done $0x0  }
0xe6: {  	[sflag:s12] =	ssyncadd.s32 $0xFFFFE000  }
0xe7: {  	_ =	swait.ge [sflag:s25], $0x2000  }
0xe8: {  	[sflag:s25] =	ssyncset.done $0x0  }
0xe9: {  	[sflag:s25] =	ssyncadd.s32 $0xFFFFE000  }
0xea: {  	[spmem:s2] =	stream.indirect.scatter.add.f32 [tilespmem:s20], [sflag:$0x5], $0x40, s30, s16, $0xb8;
	[tilespmem:$0x1C000] =	vst v63  }
0xeb: {  	_ =	swait.ge [sflag:s12], $0x2000  }
0xec: {  	[sflag:s12] =	ssyncset.done $0x0  }
0xed: {  	[sflag:s12] =	ssyncadd.s32 $0xFFFFE000  }
0xee: {  	_ =	swait.ge [sflag:s26], $0x2000  }
0xef: {  	[sflag:s26] =	ssyncset.done $0x0  }
0xf0: {  	[sflag:s26] =	ssyncadd.s32 $0xFFFFE000  }
0xf1: {  	[spmem:s2] =	stream.indirect.scatter.add.f32 [tilespmem:s22], [sflag:$0x5], $0x40, s31, s16, $0xb8;
	[tilespmem:$0x1C000] =	vst v63  }
0xf2: {  	_ =	swait.ge [sflag:s12], $0x2000  }
0xf3: {  	s0 =	sadd.s32 $0x1, s0;
	[sflag:s12] =	ssyncset.done $0x0  }
0xf4: {  	p0 =	sne.s32 s0, s11;
	[sflag:s12] =	ssyncadd.s32 $0xFFFFE000  }
.Ltmp2:
0xf5: {  	[bflag:$0x0] =	sbarrier.arrive $0xFFFF;
	(pc) =	sbr.rel @p0 .LBB2_1-.Ltmp2, $4  }
0xf6: {  	[hbm:s10], [sflag:s14] =	dma.local [spmem:s15], $0x1400  }
0xf7: {  	_ =	swait.ge [sflag:s12], $0x1400  }
0xf8: {  	[sflag:s12] =	ssyncset.done $0x0  }
0xf9: {  	[sflag:s12] =	ssyncadd.s32 $0xFFFFEC00  }
0xfa: {  	_ =	sfence.sel $0x180000  }
0xfb: {  	[bflag:$0x0] =	sbarrier.arrive $0xFFFF  }
0xfc: {  	_ =	strace $0x90000047  }
0xfd: {  	s0 =	stileid.u32;
	[bflag:$0x2] =	sbarrier.arrive $0xFFFF  }
0xfe: {  	p0 =	sne.s32 s0, $0x0;
	s0 =	rddreg [dreg:$0x4]  }
0xff: {  	s0 =	sadd.s32 @!p0 $0x100000, s0  }
0x100: {  	[sflag:s0] =	ssyncadd.tile.s32 @!p0 $0x1;
	_ =	shalt  }
.Lfunc_end2:
_tile_overlayer_lowered:
.L_overlay_start_2:
0x101: {  	(tag) =	ssettag $0x2  }
0x102: {  	s0 =	rddreg [dreg:$0x0];
	s2 =	stileid.u32  }
0x103: {  	s1 =	rddreg [dreg:$0x1];
	p0 =	sne.s32 s2, $0x0  }
0x104: {  	s3 =	rddreg [dreg:$0x2];
	[bflag:$0x3] =	sbarrier.arrive $0xFFFF;
	s2 =	simm.s32 @!p0 $0x1C05  }
0x105: {  	[timem:s3], [sflag:s2] =	dma.local @!p0 [hbm:s0], s1  }
0x106: {  	s0 =	simm.s32 @!p0 $0x5  }
0x107: {  	_ =	swait.ge @!p0 [sflag:s0], s1  }
0x108: {  	s1 =	ssub.s32 @!p0 $0x0, s1;
	[sflag:s0] =	ssyncset.done @!p0 $0x0  }
0x109: {  	[sflag:s0] =	ssyncadd.s32 @!p0 s1  }
0x10a: {  	[bflag:$0x3] =	sbarrier.arrive $0xFFFF  }
0x10b: {  	_ =	shalt  }

</sc_bundles>
